<compile_context>
chip_gen: v7x
topology: tpu7x:2x2x1
jax: 0.10.2.dev20260603
libtpu: 0.0.44.dev20260713+nightly
codegen_flags: <defaults>
</compile_context>

<pallas_src>
import functools

import jax
import jax.numpy as jnp
from jax import lax
from jax.experimental import pallas as pl
from jax.experimental.pallas import tpu as pltpu
from jax.experimental.pallas import tpu_sc as plsc

N = 10000
D = 256
H = 128
E = 160000
NSUB = 16
EPT = E // NSUB
CH = 80
NCH = EPT // CH
RCH = 40
NRCH = N // RCH
ALPHA = 0.1
THETA = 0.5

MM_BLK = 2000


def _mm_body(x_ref, w_ref, o_ref):
    o_ref[0] = jnp.dot(x_ref[...], w_ref[...],
                       preferred_element_type=jnp.float32,
                       precision=jax.lax.Precision.HIGHEST)


def _matmul_split(x, w):
    return pl.pallas_call(
        _mm_body,
        grid=(N // MM_BLK, 2),
        in_specs=[
            pl.BlockSpec((MM_BLK, D), lambda i, c: (i, 0)),
            pl.BlockSpec((D, H), lambda i, c: (0, c)),
        ],
        out_specs=pl.BlockSpec((1, MM_BLK, H), lambda i, c: (c, i, 0)),
        out_shape=jax.ShapeDtypeStruct((2, N, H), jnp.float32),
    )(x, w)


def _combine_body(agg_ref, x0_ref, b_ref, o_ref):
    a = jnp.concatenate([agg_ref[0], agg_ref[1]], axis=1)
    o_ref[...] = a + (THETA * ALPHA) * x0_ref[...] + b_ref[...]


def _combine(agg2, x0, bias2d):
    return pl.pallas_call(
        _combine_body,
        grid=(N // MM_BLK,),
        in_specs=[
            pl.BlockSpec((2, MM_BLK, H), lambda i: (0, i, 0)),
            pl.BlockSpec((MM_BLK, D), lambda i: (i, 0)),
            pl.BlockSpec((1, D), lambda i: (0, 0)),
        ],
        out_specs=pl.BlockSpec((MM_BLK, D), lambda i: (i, 0)),
        out_shape=jax.ShapeDtypeStruct((N, D), jnp.float32),
    )(agg2, x0, bias2d)


def _sc_scatter(xw2, src_all, dst_all, zrows):
    mesh = plsc.VectorSubcoreMesh(core_axis_name="c", subcore_axis_name="s")

    @functools.partial(
        pl.kernel,
        mesh=mesh,
        out_type=jax.ShapeDtypeStruct((2 * N, H), jnp.float32),
        scratch_types=[
            pltpu.VMEM((NCH, CH), jnp.int32),
            pltpu.VMEM((NCH, CH), jnp.int32),
            pltpu.VMEM((CH, H), jnp.float32),
            pltpu.VMEM((RCH, H), jnp.float32),
            pltpu.VMEM_SHARED((N, H), jnp.float32),
            pltpu.SemaphoreType.DMA,
        ],
    )
    def k(xw_hbm, src_hbm, dst_hbm, z_hbm, out_hbm,
          src_v, dst_v, rows_v, obuf, agg_sh, sem):
        c = lax.axis_index("c")
        s = lax.axis_index("s")
        pltpu.sync_copy(src_hbm.at[c * NSUB + s], src_v)
        pltpu.sync_copy(dst_hbm.at[s], dst_v)
        pltpu.sync_copy(z_hbm, obuf)
        for i in range(pl.cdiv(NRCH, NSUB)):
            cid = s + i * NSUB

            @pl.when(cid < NRCH)
            def _zero():
                pltpu.sync_copy(obuf, agg_sh.at[pl.ds(cid * RCH, RCH)])

        plsc.subcore_barrier()

        def body(j, carry):
            pltpu.async_copy(xw_hbm.at[src_v.at[j]], rows_v, sem).wait()
            pltpu.sync_copy(rows_v, agg_sh.at[dst_v.at[j]], add=True)
            return carry

        lax.fori_loop(0, NCH, body, 0)
        plsc.subcore_barrier()
        for i in range(pl.cdiv(NRCH, NSUB)):
            cid = s + i * NSUB

            @pl.when(cid < NRCH)
            def _writeout():
                pltpu.sync_copy(agg_sh.at[pl.ds(cid * RCH, RCH)], obuf)
                pltpu.sync_copy(obuf, out_hbm.at[pl.ds(c * N + cid * RCH, RCH)])

    return k(xw2, src_all, dst_all, zrows)


def kernel(x, edge_index, x0, weight, bias):
    ei = edge_index.astype(jnp.int32)
    src = ei[0]
    dst = ei[1]
    src_all = jnp.stack([src, src + N]).reshape(2 * NSUB, NCH, CH)
    dst_all = dst.reshape(NSUB, NCH, CH)
    w_scaled = (THETA * (1.0 - ALPHA)) * weight
    xw = _matmul_split(x, w_scaled).reshape(2 * N, H)
    zrows = jnp.zeros((RCH, H), jnp.float32)
    agg2 = _sc_scatter(xw, src_all, dst_all, zrows).reshape(2, N, H)
    return _combine(agg2, x0, bias.reshape(1, D))

# --- scband reference (transcript-rebuilt; emitter-appended) ---
"""Pipeline reference for scband-gcniiconv-21912923144578 (READ-ONLY COPY).

The authoritative reference and input builder live on the scoring server;
editing this copy changes nothing except your own understanding.
"""

import jax, jax.numpy as jnp
import numpy as np

N_NODES = 10000
N_EDGES = 160000
D = 256
ALPHA = 0.1
THETA = 0.5

def setup_inputs(seed: int = 0) -> dict:
    key = jax.random.key(seed)
    k1, k2, k3, k4 = jax.random.split(key, 4)
    x = jax.random.normal(k1, (N_NODES, D), dtype=jnp.float32)
    x0 = jax.random.normal(k2, (N_NODES, D), dtype=jnp.float32)
    edge_index = jax.random.randint(k3, (2, N_EDGES), 0, N_NODES, dtype=jnp.int64)
    # xavier_uniform for weight [in, out]
    limit = float(np.sqrt(6.0 / (D + D)))
    weight = jax.random.uniform(k4, (D, D), dtype=jnp.float32, minval=-limit, maxval=limit)
    bias = jnp.zeros((D,), dtype=jnp.float32)
    return {"x": x, "edge_index": edge_index, "x0": x0, "weight": weight, "bias": bias}

def reference(x, edge_index, x0, weight, bias):
    # agg = adj_t.matmul(x @ W): sparse adjacency matmul implemented as
    # gather on src nodes + scatter-add (segment_sum) onto dst nodes.
    xw = x @ weight
    src = edge_index[0]
    dst = edge_index[1]
    messages = jnp.take(xw, src, axis=0)
    agg = jax.ops.segment_sum(messages, dst, num_segments=x.shape[0])
    out = (1.0 - ALPHA) * agg + ALPHA * x0
    out = THETA * out
    out = out + bias
    return out

if __name__ == "__main__":
    import jax
    _d = setup_inputs()
    print(jax.jit(kernel)(*tuple(_d.values())))

</pallas_src>

<mosaic_0001>
#map = affine_map<(d0, d1) -> (0, 0)>
#map1 = affine_map<(d0, d1) -> (0, 0, 0)>
module attributes {stable_mosaic.version = 14 : i64} {
  func.func @k(%arg0: i32, %arg1: i32, %arg2: memref<20000x128xf32, #tpu.memory_space<hbm>>, %arg3: memref<32x125x80xi32, #tpu.memory_space<hbm>>, %arg4: memref<16x125x80xi32, #tpu.memory_space<hbm>>, %arg5: memref<40x128xf32, #tpu.memory_space<hbm>>, %arg6: memref<20000x128xf32, #tpu.memory_space<hbm>>, %arg7: memref<125x80xi32, #tpu.memory_space<vmem>>, %arg8: memref<125x80xi32, #tpu.memory_space<vmem>>, %arg9: memref<80x128xf32, #tpu.memory_space<vmem>>, %arg10: memref<40x128xf32, #tpu.memory_space<vmem>>, %arg11: memref<10000x128xf32, #tpu.memory_space<vmem_shared>>, %arg12: memref<!tpu.dma_semaphore, #tpu.memory_space<semaphore_mem>>) attributes {dimension_semantics = [#tpu.dimension_semantics<core_parallel>, #tpu.dimension_semantics<subcore_parallel>], iteration_bounds = array<i64: 2, 16>, scalar_prefetch = 0 : i64, scratch_operands = 6 : i64, tpu.core_type = #tpu.core_type<sc_vector_subcore>, window_params = [{transform_indices = #map}, {transform_indices = #map1}, {transform_indices = #map1}, {transform_indices = #map}, {transform_indices = #map}]} {
    %mul3A = arith.constant 16 : i32
    %mul3A_0 = arith.muli %arg0, %mul3A : i32
    %add3A = arith.addi %mul3A_0, %arg1 : i32
    "tpu.region"() ({
      %run_scoped3A = tpu.sem_alloc : memref<!tpu.dma_semaphore, #tpu.memory_space<semaphore_mem>>
      %dma_start3A = arith.constant 0 : i32
      %dma_start3A_228 = arith.constant 0 : i32
      %dma_start3A_229 = tpu.memref_slice %arg3[%add3A, %dma_start3A, %dma_start3A_228] : memref<32x125x80xi32, #tpu.memory_space<hbm>> -> memref<1x125x80xi32, #tpu.memory_space<hbm>>
      %dma_start3A_230 = tpu.memref_squeeze %dma_start3A_229 : memref<1x125x80xi32, #tpu.memory_space<hbm>> -> memref<125x80xi32, #tpu.memory_space<hbm>>
      %dma_start3A_231 = arith.constant 0 : i32
      %dma_start3A_232 = arith.constant 0 : i32
      %dma_start3A_233 = tpu.memref_slice %arg3[%add3A, %dma_start3A_231, %dma_start3A_232] : memref<32x125x80xi32, #tpu.memory_space<hbm>> -> memref<1x125x80xi32, #tpu.memory_space<hbm>>
      %dma_start3A_234 = tpu.memref_squeeze %dma_start3A_233 : memref<1x125x80xi32, #tpu.memory_space<hbm>> -> memref<125x80xi32, #tpu.memory_space<hbm>>
      tpu.enqueue_dma source(%dma_start3A_234 : memref<125x80xi32, #tpu.memory_space<hbm>>) target(%arg7 : memref<125x80xi32, #tpu.memory_space<vmem>>) target_semaphore(%run_scoped3A : memref<!tpu.dma_semaphore, #tpu.memory_space<semaphore_mem>>)
      %dma_wait3A = arith.constant 0 : i32
      %dma_wait3A_235 = arith.constant 0 : i32
      %dma_wait3A_236 = tpu.memref_slice %arg3[%add3A, %dma_wait3A, %dma_wait3A_235] : memref<32x125x80xi32, #tpu.memory_space<hbm>> -> memref<1x125x80xi32, #tpu.memory_space<hbm>>
      %dma_wait3A_237 = tpu.memref_squeeze %dma_wait3A_236 : memref<1x125x80xi32, #tpu.memory_space<hbm>> -> memref<125x80xi32, #tpu.memory_space<hbm>>
      %dma_wait3A_238 = arith.constant 0 : i32
      %dma_wait3A_239 = arith.constant 0 : i32
      %dma_wait3A_240 = tpu.memref_slice %arg3[%add3A, %dma_wait3A_238, %dma_wait3A_239] : memref<32x125x80xi32, #tpu.memory_space<hbm>> -> memref<1x125x80xi32, #tpu.memory_space<hbm>>
      %dma_wait3A_241 = tpu.memref_squeeze %dma_wait3A_240 : memref<1x125x80xi32, #tpu.memory_space<hbm>> -> memref<125x80xi32, #tpu.memory_space<hbm>>
      tpu.wait_dma2 semaphore(%run_scoped3A : memref<!tpu.dma_semaphore, #tpu.memory_space<semaphore_mem>>) src(%dma_wait3A_241 : memref<125x80xi32, #tpu.memory_space<hbm>>) dst(%arg7 : memref<125x80xi32, #tpu.memory_space<vmem>>)
      tpu.yield
    }) : () -> ()
    "tpu.region"() ({
      %run_scoped3A = tpu.sem_alloc : memref<!tpu.dma_semaphore, #tpu.memory_space<semaphore_mem>>
      %dma_start3A = arith.constant 0 : i32
      %dma_start3A_228 = arith.constant 0 : i32
      %dma_start3A_229 = tpu.memref_slice %arg4[%arg1, %dma_start3A, %dma_start3A_228] : memref<16x125x80xi32, #tpu.memory_space<hbm>> -> memref<1x125x80xi32, #tpu.memory_space<hbm>>
      %dma_start3A_230 = tpu.memref_squeeze %dma_start3A_229 : memref<1x125x80xi32, #tpu.memory_space<hbm>> -> memref<125x80xi32, #tpu.memory_space<hbm>>
      %dma_start3A_231 = arith.constant 0 : i32
      %dma_start3A_232 = arith.constant 0 : i32
      %dma_start3A_233 = tpu.memref_slice %arg4[%arg1, %dma_start3A_231, %dma_start3A_232] : memref<16x125x80xi32, #tpu.memory_space<hbm>> -> memref<1x125x80xi32, #tpu.memory_space<hbm>>
      %dma_start3A_234 = tpu.memref_squeeze %dma_start3A_233 : memref<1x125x80xi32, #tpu.memory_space<hbm>> -> memref<125x80xi32, #tpu.memory_space<hbm>>
      tpu.enqueue_dma source(%dma_start3A_234 : memref<125x80xi32, #tpu.memory_space<hbm>>) target(%arg8 : memref<125x80xi32, #tpu.memory_space<vmem>>) target_semaphore(%run_scoped3A : memref<!tpu.dma_semaphore, #tpu.memory_space<semaphore_mem>>)
      %dma_wait3A = arith.constant 0 : i32
      %dma_wait3A_235 = arith.constant 0 : i32
      %dma_wait3A_236 = tpu.memref_slice %arg4[%arg1, %dma_wait3A, %dma_wait3A_235] : memref<16x125x80xi32, #tpu.memory_space<hbm>> -> memref<1x125x80xi32, #tpu.memory_space<hbm>>
      %dma_wait3A_237 = tpu.memref_squeeze %dma_wait3A_236 : memref<1x125x80xi32, #tpu.memory_space<hbm>> -> memref<125x80xi32, #tpu.memory_space<hbm>>
      %dma_wait3A_238 = arith.constant 0 : i32
      %dma_wait3A_239 = arith.constant 0 : i32
      %dma_wait3A_240 = tpu.memref_slice %arg4[%arg1, %dma_wait3A_238, %dma_wait3A_239] : memref<16x125x80xi32, #tpu.memory_space<hbm>> -> memref<1x125x80xi32, #tpu.memory_space<hbm>>
      %dma_wait3A_241 = tpu.memref_squeeze %dma_wait3A_240 : memref<1x125x80xi32, #tpu.memory_space<hbm>> -> memref<125x80xi32, #tpu.memory_space<hbm>>
      tpu.wait_dma2 semaphore(%run_scoped3A : memref<!tpu.dma_semaphore, #tpu.memory_space<semaphore_mem>>) src(%dma_wait3A_241 : memref<125x80xi32, #tpu.memory_space<hbm>>) dst(%arg8 : memref<125x80xi32, #tpu.memory_space<vmem>>)
      tpu.yield
    }) : () -> ()
    "tpu.region"() ({
      %run_scoped3A = tpu.sem_alloc : memref<!tpu.dma_semaphore, #tpu.memory_space<semaphore_mem>>
      tpu.enqueue_dma source(%arg5 : memref<40x128xf32, #tpu.memory_space<hbm>>) target(%arg10 : memref<40x128xf32, #tpu.memory_space<vmem>>) target_semaphore(%run_scoped3A : memref<!tpu.dma_semaphore, #tpu.memory_space<semaphore_mem>>)
      tpu.wait_dma2 semaphore(%run_scoped3A : memref<!tpu.dma_semaphore, #tpu.memory_space<semaphore_mem>>) src(%arg5 : memref<40x128xf32, #tpu.memory_space<hbm>>) dst(%arg10 : memref<40x128xf32, #tpu.memory_space<vmem>>)
      tpu.yield
    }) : () -> ()
    %add3A_1 = arith.constant 0 : i32
    %add3A_2 = arith.addi %arg1, %add3A_1 : i32
    %lt3A = arith.constant 250 : i32
    %lt3A_3 = arith.cmpi slt, %add3A_2, %lt3A : i32
    %convert_element_type3A = arith.extui %lt3A_3 : i1 to i32
    %cond3A = arith.constant 0 : i32
    %cond3A_4 = arith.cmpi ne, %convert_element_type3A, %cond3A : i32
    scf.if %cond3A_4 {
      %mul3A_228 = arith.constant 40 : i32
      %mul3A_229 = arith.muli %add3A_2, %mul3A_228 : i32
      "tpu.region"() ({
        %run_scoped3A = tpu.sem_alloc : memref<!tpu.dma_semaphore, #tpu.memory_space<semaphore_mem>>
        %dma_start3A = arith.constant 0 : i32
        %dma_start3A_230 = tpu.memref_slice %arg11[%mul3A_229, %dma_start3A] : memref<10000x128xf32, #tpu.memory_space<vmem_shared>> -> memref<40x128xf32, #tpu.memory_space<vmem_shared>>
        %dma_start3A_231 = arith.constant 0 : i32
        %dma_start3A_232 = tpu.memref_slice %arg11[%mul3A_229, %dma_start3A_231] : memref<10000x128xf32, #tpu.memory_space<vmem_shared>> -> memref<40x128xf32, #tpu.memory_space<vmem_shared>>
        tpu.enqueue_dma source(%arg10 : memref<40x128xf32, #tpu.memory_space<vmem>>) target(%dma_start3A_232 : memref<40x128xf32, #tpu.memory_space<vmem_shared>>) target_semaphore(%run_scoped3A : memref<!tpu.dma_semaphore, #tpu.memory_space<semaphore_mem>>)
        %dma_wait3A = arith.constant 0 : i32
        %dma_wait3A_233 = tpu.memref_slice %arg11[%mul3A_229, %dma_wait3A] : memref<10000x128xf32, #tpu.memory_space<vmem_shared>> -> memref<40x128xf32, #tpu.memory_space<vmem_shared>>
        %dma_wait3A_234 = arith.constant 0 : i32
        %dma_wait3A_235 = tpu.memref_slice %arg11[%mul3A_229, %dma_wait3A_234] : memref<10000x128xf32, #tpu.memory_space<vmem_shared>> -> memref<40x128xf32, #tpu.memory_space<vmem_shared>>
        tpu.wait_dma2 semaphore(%run_scoped3A : memref<!tpu.dma_semaphore, #tpu.memory_space<semaphore_mem>>) src(%arg10 : memref<40x128xf32, #tpu.memory_space<vmem>>) dst(%dma_wait3A_235 : memref<40x128xf32, #tpu.memory_space<vmem_shared>>)
        tpu.yield
      }) : () -> ()
    } else {
    }
    %add3A_5 = arith.constant 16 : i32
    %add3A_6 = arith.addi %arg1, %add3A_5 : i32
    %lt3A_7 = arith.constant 250 : i32
    %lt3A_8 = arith.cmpi slt, %add3A_6, %lt3A_7 : i32
    %convert_element_type3A_9 = arith.extui %lt3A_8 : i1 to i32
    %cond3A_10 = arith.constant 0 : i32
    %cond3A_11 = arith.cmpi ne, %convert_element_type3A_9, %cond3A_10 : i32
    scf.if %cond3A_11 {
      %mul3A_228 = arith.constant 40 : i32
      %mul3A_229 = arith.muli %add3A_6, %mul3A_228 : i32
      "tpu.region"() ({
        %run_scoped3A = tpu.sem_alloc : memref<!tpu.dma_semaphore, #tpu.memory_space<semaphore_mem>>
        %dma_start3A = arith.constant 0 : i32
        %dma_start3A_230 = tpu.memref_slice %arg11[%mul3A_229, %dma_start3A] : memref<10000x128xf32, #tpu.memory_space<vmem_shared>> -> memref<40x128xf32, #tpu.memory_space<vmem_shared>>
        %dma_start3A_231 = arith.constant 0 : i32
        %dma_start3A_232 = tpu.memref_slice %arg11[%mul3A_229, %dma_start3A_231] : memref<10000x128xf32, #tpu.memory_space<vmem_shared>> -> memref<40x128xf32, #tpu.memory_space<vmem_shared>>
        tpu.enqueue_dma source(%arg10 : memref<40x128xf32, #tpu.memory_space<vmem>>) target(%dma_start3A_232 : memref<40x128xf32, #tpu.memory_space<vmem_shared>>) target_semaphore(%run_scoped3A : memref<!tpu.dma_semaphore, #tpu.memory_space<semaphore_mem>>)
        %dma_wait3A = arith.constant 0 : i32
        %dma_wait3A_233 = tpu.memref_slice %arg11[%mul3A_229, %dma_wait3A] : memref<10000x128xf32, #tpu.memory_space<vmem_shared>> -> memref<40x128xf32, #tpu.memory_space<vmem_shared>>
        %dma_wait3A_234 = arith.constant 0 : i32
        %dma_wait3A_235 = tpu.memref_slice %arg11[%mul3A_229, %dma_wait3A_234] : memref<10000x128xf32, #tpu.memory_space<vmem_shared>> -> memref<40x128xf32, #tpu.memory_space<vmem_shared>>
        tpu.wait_dma2 semaphore(%run_scoped3A : memref<!tpu.dma_semaphore, #tpu.memory_space<semaphore_mem>>) src(%arg10 : memref<40x128xf32, #tpu.memory_space<vmem>>) dst(%dma_wait3A_235 : memref<40x128xf32, #tpu.memory_space<vmem_shared>>)
        tpu.yield
      }) : () -> ()
    } else {
    }
    %add3A_12 = arith.constant 32 : i32
    %add3A_13 = arith.addi %arg1, %add3A_12 : i32
    %lt3A_14 = arith.constant 250 : i32
    %lt3A_15 = arith.cmpi slt, %add3A_13, %lt3A_14 : i32
    %convert_element_type3A_16 = arith.extui %lt3A_15 : i1 to i32
    %cond3A_17 = arith.constant 0 : i32
    %cond3A_18 = arith.cmpi ne, %convert_element_type3A_16, %cond3A_17 : i32
    scf.if %cond3A_18 {
      %mul3A_228 = arith.constant 40 : i32
      %mul3A_229 = arith.muli %add3A_13, %mul3A_228 : i32
      "tpu.region"() ({
        %run_scoped3A = tpu.sem_alloc : memref<!tpu.dma_semaphore, #tpu.memory_space<semaphore_mem>>
        %dma_start3A = arith.constant 0 : i32
        %dma_start3A_230 = tpu.memref_slice %arg11[%mul3A_229, %dma_start3A] : memref<10000x128xf32, #tpu.memory_space<vmem_shared>> -> memref<40x128xf32, #tpu.memory_space<vmem_shared>>
        %dma_start3A_231 = arith.constant 0 : i32
        %dma_start3A_232 = tpu.memref_slice %arg11[%mul3A_229, %dma_start3A_231] : memref<10000x128xf32, #tpu.memory_space<vmem_shared>> -> memref<40x128xf32, #tpu.memory_space<vmem_shared>>
        tpu.enqueue_dma source(%arg10 : memref<40x128xf32, #tpu.memory_space<vmem>>) target(%dma_start3A_232 : memref<40x128xf32, #tpu.memory_space<vmem_shared>>) target_semaphore(%run_scoped3A : memref<!tpu.dma_semaphore, #tpu.memory_space<semaphore_mem>>)
        %dma_wait3A = arith.constant 0 : i32
        %dma_wait3A_233 = tpu.memref_slice %arg11[%mul3A_229, %dma_wait3A] : memref<10000x128xf32, #tpu.memory_space<vmem_shared>> -> memref<40x128xf32, #tpu.memory_space<vmem_shared>>
        %dma_wait3A_234 = arith.constant 0 : i32
        %dma_wait3A_235 = tpu.memref_slice %arg11[%mul3A_229, %dma_wait3A_234] : memref<10000x128xf32, #tpu.memory_space<vmem_shared>> -> memref<40x128xf32, #tpu.memory_space<vmem_shared>>
        tpu.wait_dma2 semaphore(%run_scoped3A : memref<!tpu.dma_semaphore, #tpu.memory_space<semaphore_mem>>) src(%arg10 : memref<40x128xf32, #tpu.memory_space<vmem>>) dst(%dma_wait3A_235 : memref<40x128xf32, #tpu.memory_space<vmem_shared>>)
        tpu.yield
      }) : () -> ()
    } else {
    }
    %add3A_19 = arith.constant 48 : i32
    %add3A_20 = arith.addi %arg1, %add3A_19 : i32
    %lt3A_21 = arith.constant 250 : i32
    %lt3A_22 = arith.cmpi slt, %add3A_20, %lt3A_21 : i32
    %convert_element_type3A_23 = arith.extui %lt3A_22 : i1 to i32
    %cond3A_24 = arith.constant 0 : i32
    %cond3A_25 = arith.cmpi ne, %convert_element_type3A_23, %cond3A_24 : i32
    scf.if %cond3A_25 {
      %mul3A_228 = arith.constant 40 : i32
      %mul3A_229 = arith.muli %add3A_20, %mul3A_228 : i32
      "tpu.region"() ({
        %run_scoped3A = tpu.sem_alloc : memref<!tpu.dma_semaphore, #tpu.memory_space<semaphore_mem>>
        %dma_start3A = arith.constant 0 : i32
        %dma_start3A_230 = tpu.memref_slice %arg11[%mul3A_229, %dma_start3A] : memref<10000x128xf32, #tpu.memory_space<vmem_shared>> -> memref<40x128xf32, #tpu.memory_space<vmem_shared>>
        %dma_start3A_231 = arith.constant 0 : i32
        %dma_start3A_232 = tpu.memref_slice %arg11[%mul3A_229, %dma_start3A_231] : memref<10000x128xf32, #tpu.memory_space<vmem_shared>> -> memref<40x128xf32, #tpu.memory_space<vmem_shared>>
        tpu.enqueue_dma source(%arg10 : memref<40x128xf32, #tpu.memory_space<vmem>>) target(%dma_start3A_232 : memref<40x128xf32, #tpu.memory_space<vmem_shared>>) target_semaphore(%run_scoped3A : memref<!tpu.dma_semaphore, #tpu.memory_space<semaphore_mem>>)
        %dma_wait3A = arith.constant 0 : i32
        %dma_wait3A_233 = tpu.memref_slice %arg11[%mul3A_229, %dma_wait3A] : memref<10000x128xf32, #tpu.memory_space<vmem_shared>> -> memref<40x128xf32, #tpu.memory_space<vmem_shared>>
        %dma_wait3A_234 = arith.constant 0 : i32
        %dma_wait3A_235 = tpu.memref_slice %arg11[%mul3A_229, %dma_wait3A_234] : memref<10000x128xf32, #tpu.memory_space<vmem_shared>> -> memref<40x128xf32, #tpu.memory_space<vmem_shared>>
        tpu.wait_dma2 semaphore(%run_scoped3A : memref<!tpu.dma_semaphore, #tpu.memory_space<semaphore_mem>>) src(%arg10 : memref<40x128xf32, #tpu.memory_space<vmem>>) dst(%dma_wait3A_235 : memref<40x128xf32, #tpu.memory_space<vmem_shared>>)
        tpu.yield
      }) : () -> ()
    } else {
    }
    %add3A_26 = arith.constant 64 : i32
    %add3A_27 = arith.addi %arg1, %add3A_26 : i32
    %lt3A_28 = arith.constant 250 : i32
    %lt3A_29 = arith.cmpi slt, %add3A_27, %lt3A_28 : i32
    %convert_element_type3A_30 = arith.extui %lt3A_29 : i1 to i32
    %cond3A_31 = arith.constant 0 : i32
    %cond3A_32 = arith.cmpi ne, %convert_element_type3A_30, %cond3A_31 : i32
    scf.if %cond3A_32 {
      %mul3A_228 = arith.constant 40 : i32
      %mul3A_229 = arith.muli %add3A_27, %mul3A_228 : i32
      "tpu.region"() ({
        %run_scoped3A = tpu.sem_alloc : memref<!tpu.dma_semaphore, #tpu.memory_space<semaphore_mem>>
        %dma_start3A = arith.constant 0 : i32
        %dma_start3A_230 = tpu.memref_slice %arg11[%mul3A_229, %dma_start3A] : memref<10000x128xf32, #tpu.memory_space<vmem_shared>> -> memref<40x128xf32, #tpu.memory_space<vmem_shared>>
        %dma_start3A_231 = arith.constant 0 : i32
        %dma_start3A_232 = tpu.memref_slice %arg11[%mul3A_229, %dma_start3A_231] : memref<10000x128xf32, #tpu.memory_space<vmem_shared>> -> memref<40x128xf32, #tpu.memory_space<vmem_shared>>
        tpu.enqueue_dma source(%arg10 : memref<40x128xf32, #tpu.memory_space<vmem>>) target(%dma_start3A_232 : memref<40x128xf32, #tpu.memory_space<vmem_shared>>) target_semaphore(%run_scoped3A : memref<!tpu.dma_semaphore, #tpu.memory_space<semaphore_mem>>)
        %dma_wait3A = arith.constant 0 : i32
        %dma_wait3A_233 = tpu.memref_slice %arg11[%mul3A_229, %dma_wait3A] : memref<10000x128xf32, #tpu.memory_space<vmem_shared>> -> memref<40x128xf32, #tpu.memory_space<vmem_shared>>
        %dma_wait3A_234 = arith.constant 0 : i32
        %dma_wait3A_235 = tpu.memref_slice %arg11[%mul3A_229, %dma_wait3A_234] : memref<10000x128xf32, #tpu.memory_space<vmem_shared>> -> memref<40x128xf32, #tpu.memory_space<vmem_shared>>
        tpu.wait_dma2 semaphore(%run_scoped3A : memref<!tpu.dma_semaphore, #tpu.memory_space<semaphore_mem>>) src(%arg10 : memref<40x128xf32, #tpu.memory_space<vmem>>) dst(%dma_wait3A_235 : memref<40x128xf32, #tpu.memory_space<vmem_shared>>)
        tpu.yield
      }) : () -> ()
    } else {
    }
    %add3A_33 = arith.constant 80 : i32
    %add3A_34 = arith.addi %arg1, %add3A_33 : i32
    %lt3A_35 = arith.constant 250 : i32
    %lt3A_36 = arith.cmpi slt, %add3A_34, %lt3A_35 : i32
    %convert_element_type3A_37 = arith.extui %lt3A_36 : i1 to i32
    %cond3A_38 = arith.constant 0 : i32
    %cond3A_39 = arith.cmpi ne, %convert_element_type3A_37, %cond3A_38 : i32
    scf.if %cond3A_39 {
      %mul3A_228 = arith.constant 40 : i32
      %mul3A_229 = arith.muli %add3A_34, %mul3A_228 : i32
      "tpu.region"() ({
        %run_scoped3A = tpu.sem_alloc : memref<!tpu.dma_semaphore, #tpu.memory_space<semaphore_mem>>
        %dma_start3A = arith.constant 0 : i32
        %dma_start3A_230 = tpu.memref_slice %arg11[%mul3A_229, %dma_start3A] : memref<10000x128xf32, #tpu.memory_space<vmem_shared>> -> memref<40x128xf32, #tpu.memory_space<vmem_shared>>
        %dma_start3A_231 = arith.constant 0 : i32
        %dma_start3A_232 = tpu.memref_slice %arg11[%mul3A_229, %dma_start3A_231] : memref<10000x128xf32, #tpu.memory_space<vmem_shared>> -> memref<40x128xf32, #tpu.memory_space<vmem_shared>>
        tpu.enqueue_dma source(%arg10 : memref<40x128xf32, #tpu.memory_space<vmem>>) target(%dma_start3A_232 : memref<40x128xf32, #tpu.memory_space<vmem_shared>>) target_semaphore(%run_scoped3A : memref<!tpu.dma_semaphore, #tpu.memory_space<semaphore_mem>>)
        %dma_wait3A = arith.constant 0 : i32
        %dma_wait3A_233 = tpu.memref_slice %arg11[%mul3A_229, %dma_wait3A] : memref<10000x128xf32, #tpu.memory_space<vmem_shared>> -> memref<40x128xf32, #tpu.memory_space<vmem_shared>>
        %dma_wait3A_234 = arith.constant 0 : i32
        %dma_wait3A_235 = tpu.memref_slice %arg11[%mul3A_229, %dma_wait3A_234] : memref<10000x128xf32, #tpu.memory_space<vmem_shared>> -> memref<40x128xf32, #tpu.memory_space<vmem_shared>>
        tpu.wait_dma2 semaphore(%run_scoped3A : memref<!tpu.dma_semaphore, #tpu.memory_space<semaphore_mem>>) src(%arg10 : memref<40x128xf32, #tpu.memory_space<vmem>>) dst(%dma_wait3A_235 : memref<40x128xf32, #tpu.memory_space<vmem_shared>>)
        tpu.yield
      }) : () -> ()
    } else {
    }
    %add3A_40 = arith.constant 96 : i32
    %add3A_41 = arith.addi %arg1, %add3A_40 : i32
    %lt3A_42 = arith.constant 250 : i32
    %lt3A_43 = arith.cmpi slt, %add3A_41, %lt3A_42 : i32
    %convert_element_type3A_44 = arith.extui %lt3A_43 : i1 to i32
    %cond3A_45 = arith.constant 0 : i32
    %cond3A_46 = arith.cmpi ne, %convert_element_type3A_44, %cond3A_45 : i32
    scf.if %cond3A_46 {
      %mul3A_228 = arith.constant 40 : i32
      %mul3A_229 = arith.muli %add3A_41, %mul3A_228 : i32
      "tpu.region"() ({
        %run_scoped3A = tpu.sem_alloc : memref<!tpu.dma_semaphore, #tpu.memory_space<semaphore_mem>>
        %dma_start3A = arith.constant 0 : i32
        %dma_start3A_230 = tpu.memref_slice %arg11[%mul3A_229, %dma_start3A] : memref<10000x128xf32, #tpu.memory_space<vmem_shared>> -> memref<40x128xf32, #tpu.memory_space<vmem_shared>>
        %dma_start3A_231 = arith.constant 0 : i32
        %dma_start3A_232 = tpu.memref_slice %arg11[%mul3A_229, %dma_start3A_231] : memref<10000x128xf32, #tpu.memory_space<vmem_shared>> -> memref<40x128xf32, #tpu.memory_space<vmem_shared>>
        tpu.enqueue_dma source(%arg10 : memref<40x128xf32, #tpu.memory_space<vmem>>) target(%dma_start3A_232 : memref<40x128xf32, #tpu.memory_space<vmem_shared>>) target_semaphore(%run_scoped3A : memref<!tpu.dma_semaphore, #tpu.memory_space<semaphore_mem>>)
        %dma_wait3A = arith.constant 0 : i32
        %dma_wait3A_233 = tpu.memref_slice %arg11[%mul3A_229, %dma_wait3A] : memref<10000x128xf32, #tpu.memory_space<vmem_shared>> -> memref<40x128xf32, #tpu.memory_space<vmem_shared>>
        %dma_wait3A_234 = arith.constant 0 : i32
        %dma_wait3A_235 = tpu.memref_slice %arg11[%mul3A_229, %dma_wait3A_234] : memref<10000x128xf32, #tpu.memory_space<vmem_shared>> -> memref<40x128xf32, #tpu.memory_space<vmem_shared>>
        tpu.wait_dma2 semaphore(%run_scoped3A : memref<!tpu.dma_semaphore, #tpu.memory_space<semaphore_mem>>) src(%arg10 : memref<40x128xf32, #tpu.memory_space<vmem>>) dst(%dma_wait3A_235 : memref<40x128xf32, #tpu.memory_space<vmem_shared>>)
        tpu.yield
      }) : () -> ()
    } else {
    }
    %add3A_47 = arith.constant 112 : i32
    %add3A_48 = arith.addi %arg1, %add3A_47 : i32
    %lt3A_49 = arith.constant 250 : i32
    %lt3A_50 = arith.cmpi slt, %add3A_48, %lt3A_49 : i32
    %convert_element_type3A_51 = arith.extui %lt3A_50 : i1 to i32
    %cond3A_52 = arith.constant 0 : i32
    %cond3A_53 = arith.cmpi ne, %convert_element_type3A_51, %cond3A_52 : i32
    scf.if %cond3A_53 {
      %mul3A_228 = arith.constant 40 : i32
      %mul3A_229 = arith.muli %add3A_48, %mul3A_228 : i32
      "tpu.region"() ({
        %run_scoped3A = tpu.sem_alloc : memref<!tpu.dma_semaphore, #tpu.memory_space<semaphore_mem>>
        %dma_start3A = arith.constant 0 : i32
        %dma_start3A_230 = tpu.memref_slice %arg11[%mul3A_229, %dma_start3A] : memref<10000x128xf32, #tpu.memory_space<vmem_shared>> -> memref<40x128xf32, #tpu.memory_space<vmem_shared>>
        %dma_start3A_231 = arith.constant 0 : i32
        %dma_start3A_232 = tpu.memref_slice %arg11[%mul3A_229, %dma_start3A_231] : memref<10000x128xf32, #tpu.memory_space<vmem_shared>> -> memref<40x128xf32, #tpu.memory_space<vmem_shared>>
        tpu.enqueue_dma source(%arg10 : memref<40x128xf32, #tpu.memory_space<vmem>>) target(%dma_start3A_232 : memref<40x128xf32, #tpu.memory_space<vmem_shared>>) target_semaphore(%run_scoped3A : memref<!tpu.dma_semaphore, #tpu.memory_space<semaphore_mem>>)
        %dma_wait3A = arith.constant 0 : i32
        %dma_wait3A_233 = tpu.memref_slice %arg11[%mul3A_229, %dma_wait3A] : memref<10000x128xf32, #tpu.memory_space<vmem_shared>> -> memref<40x128xf32, #tpu.memory_space<vmem_shared>>
        %dma_wait3A_234 = arith.constant 0 : i32
        %dma_wait3A_235 = tpu.memref_slice %arg11[%mul3A_229, %dma_wait3A_234] : memref<10000x128xf32, #tpu.memory_space<vmem_shared>> -> memref<40x128xf32, #tpu.memory_space<vmem_shared>>
        tpu.wait_dma2 semaphore(%run_scoped3A : memref<!tpu.dma_semaphore, #tpu.memory_space<semaphore_mem>>) src(%arg10 : memref<40x128xf32, #tpu.memory_space<vmem>>) dst(%dma_wait3A_235 : memref<40x128xf32, #tpu.memory_space<vmem_shared>>)
        tpu.yield
      }) : () -> ()
    } else {
    }
    %add3A_54 = arith.constant 128 : i32
    %add3A_55 = arith.addi %arg1, %add3A_54 : i32
    %lt3A_56 = arith.constant 250 : i32
    %lt3A_57 = arith.cmpi slt, %add3A_55, %lt3A_56 : i32
    %convert_element_type3A_58 = arith.extui %lt3A_57 : i1 to i32
    %cond3A_59 = arith.constant 0 : i32
    %cond3A_60 = arith.cmpi ne, %convert_element_type3A_58, %cond3A_59 : i32
    scf.if %cond3A_60 {
      %mul3A_228 = arith.constant 40 : i32
      %mul3A_229 = arith.muli %add3A_55, %mul3A_228 : i32
      "tpu.region"() ({
        %run_scoped3A = tpu.sem_alloc : memref<!tpu.dma_semaphore, #tpu.memory_space<semaphore_mem>>
        %dma_start3A = arith.constant 0 : i32
        %dma_start3A_230 = tpu.memref_slice %arg11[%mul3A_229, %dma_start3A] : memref<10000x128xf32, #tpu.memory_space<vmem_shared>> -> memref<40x128xf32, #tpu.memory_space<vmem_shared>>
        %dma_start3A_231 = arith.constant 0 : i32
        %dma_start3A_232 = tpu.memref_slice %arg11[%mul3A_229, %dma_start3A_231] : memref<10000x128xf32, #tpu.memory_space<vmem_shared>> -> memref<40x128xf32, #tpu.memory_space<vmem_shared>>
        tpu.enqueue_dma source(%arg10 : memref<40x128xf32, #tpu.memory_space<vmem>>) target(%dma_start3A_232 : memref<40x128xf32, #tpu.memory_space<vmem_shared>>) target_semaphore(%run_scoped3A : memref<!tpu.dma_semaphore, #tpu.memory_space<semaphore_mem>>)
        %dma_wait3A = arith.constant 0 : i32
        %dma_wait3A_233 = tpu.memref_slice %arg11[%mul3A_229, %dma_wait3A] : memref<10000x128xf32, #tpu.memory_space<vmem_shared>> -> memref<40x128xf32, #tpu.memory_space<vmem_shared>>
        %dma_wait3A_234 = arith.constant 0 : i32
        %dma_wait3A_235 = tpu.memref_slice %arg11[%mul3A_229, %dma_wait3A_234] : memref<10000x128xf32, #tpu.memory_space<vmem_shared>> -> memref<40x128xf32, #tpu.memory_space<vmem_shared>>
        tpu.wait_dma2 semaphore(%run_scoped3A : memref<!tpu.dma_semaphore, #tpu.memory_space<semaphore_mem>>) src(%arg10 : memref<40x128xf32, #tpu.memory_space<vmem>>) dst(%dma_wait3A_235 : memref<40x128xf32, #tpu.memory_space<vmem_shared>>)
        tpu.yield
      }) : () -> ()
    } else {
    }
    %add3A_61 = arith.constant 144 : i32
    %add3A_62 = arith.addi %arg1, %add3A_61 : i32
    %lt3A_63 = arith.constant 250 : i32
    %lt3A_64 = arith.cmpi slt, %add3A_62, %lt3A_63 : i32
    %convert_element_type3A_65 = arith.extui %lt3A_64 : i1 to i32
    %cond3A_66 = arith.constant 0 : i32
    %cond3A_67 = arith.cmpi ne, %convert_element_type3A_65, %cond3A_66 : i32
    scf.if %cond3A_67 {
      %mul3A_228 = arith.constant 40 : i32
      %mul3A_229 = arith.muli %add3A_62, %mul3A_228 : i32
      "tpu.region"() ({
        %run_scoped3A = tpu.sem_alloc : memref<!tpu.dma_semaphore, #tpu.memory_space<semaphore_mem>>
        %dma_start3A = arith.constant 0 : i32
        %dma_start3A_230 = tpu.memref_slice %arg11[%mul3A_229, %dma_start3A] : memref<10000x128xf32, #tpu.memory_space<vmem_shared>> -> memref<40x128xf32, #tpu.memory_space<vmem_shared>>
        %dma_start3A_231 = arith.constant 0 : i32
        %dma_start3A_232 = tpu.memref_slice %arg11[%mul3A_229, %dma_start3A_231] : memref<10000x128xf32, #tpu.memory_space<vmem_shared>> -> memref<40x128xf32, #tpu.memory_space<vmem_shared>>
        tpu.enqueue_dma source(%arg10 : memref<40x128xf32, #tpu.memory_space<vmem>>) target(%dma_start3A_232 : memref<40x128xf32, #tpu.memory_space<vmem_shared>>) target_semaphore(%run_scoped3A : memref<!tpu.dma_semaphore, #tpu.memory_space<semaphore_mem>>)
        %dma_wait3A = arith.constant 0 : i32
        %dma_wait3A_233 = tpu.memref_slice %arg11[%mul3A_229, %dma_wait3A] : memref<10000x128xf32, #tpu.memory_space<vmem_shared>> -> memref<40x128xf32, #tpu.memory_space<vmem_shared>>
        %dma_wait3A_234 = arith.constant 0 : i32
        %dma_wait3A_235 = tpu.memref_slice %arg11[%mul3A_229, %dma_wait3A_234] : memref<10000x128xf32, #tpu.memory_space<vmem_shared>> -> memref<40x128xf32, #tpu.memory_space<vmem_shared>>
        tpu.wait_dma2 semaphore(%run_scoped3A : memref<!tpu.dma_semaphore, #tpu.memory_space<semaphore_mem>>) src(%arg10 : memref<40x128xf32, #tpu.memory_space<vmem>>) dst(%dma_wait3A_235 : memref<40x128xf32, #tpu.memory_space<vmem_shared>>)
        tpu.yield
      }) : () -> ()
    } else {
    }
    %add3A_68 = arith.constant 160 : i32
    %add3A_69 = arith.addi %arg1, %add3A_68 : i32
    %lt3A_70 = arith.constant 250 : i32
    %lt3A_71 = arith.cmpi slt, %add3A_69, %lt3A_70 : i32
    %convert_element_type3A_72 = arith.extui %lt3A_71 : i1 to i32
    %cond3A_73 = arith.constant 0 : i32
    %cond3A_74 = arith.cmpi ne, %convert_element_type3A_72, %cond3A_73 : i32
    scf.if %cond3A_74 {
      %mul3A_228 = arith.constant 40 : i32
      %mul3A_229 = arith.muli %add3A_69, %mul3A_228 : i32
      "tpu.region"() ({
        %run_scoped3A = tpu.sem_alloc : memref<!tpu.dma_semaphore, #tpu.memory_space<semaphore_mem>>
        %dma_start3A = arith.constant 0 : i32
        %dma_start3A_230 = tpu.memref_slice %arg11[%mul3A_229, %dma_start3A] : memref<10000x128xf32, #tpu.memory_space<vmem_shared>> -> memref<40x128xf32, #tpu.memory_space<vmem_shared>>
        %dma_start3A_231 = arith.constant 0 : i32
        %dma_start3A_232 = tpu.memref_slice %arg11[%mul3A_229, %dma_start3A_231] : memref<10000x128xf32, #tpu.memory_space<vmem_shared>> -> memref<40x128xf32, #tpu.memory_space<vmem_shared>>
        tpu.enqueue_dma source(%arg10 : memref<40x128xf32, #tpu.memory_space<vmem>>) target(%dma_start3A_232 : memref<40x128xf32, #tpu.memory_space<vmem_shared>>) target_semaphore(%run_scoped3A : memref<!tpu.dma_semaphore, #tpu.memory_space<semaphore_mem>>)
        %dma_wait3A = arith.constant 0 : i32
        %dma_wait3A_233 = tpu.memref_slice %arg11[%mul3A_229, %dma_wait3A] : memref<10000x128xf32, #tpu.memory_space<vmem_shared>> -> memref<40x128xf32, #tpu.memory_space<vmem_shared>>
        %dma_wait3A_234 = arith.constant 0 : i32
        %dma_wait3A_235 = tpu.memref_slice %arg11[%mul3A_229, %dma_wait3A_234] : memref<10000x128xf32, #tpu.memory_space<vmem_shared>> -> memref<40x128xf32, #tpu.memory_space<vmem_shared>>
        tpu.wait_dma2 semaphore(%run_scoped3A : memref<!tpu.dma_semaphore, #tpu.memory_space<semaphore_mem>>) src(%arg10 : memref<40x128xf32, #tpu.memory_space<vmem>>) dst(%dma_wait3A_235 : memref<40x128xf32, #tpu.memory_space<vmem_shared>>)
        tpu.yield
      }) : () -> ()
    } else {
    }
    %add3A_75 = arith.constant 176 : i32
    %add3A_76 = arith.addi %arg1, %add3A_75 : i32
    %lt3A_77 = arith.constant 250 : i32
    %lt3A_78 = arith.cmpi slt, %add3A_76, %lt3A_77 : i32
    %convert_element_type3A_79 = arith.extui %lt3A_78 : i1 to i32
    %cond3A_80 = arith.constant 0 : i32
    %cond3A_81 = arith.cmpi ne, %convert_element_type3A_79, %cond3A_80 : i32
    scf.if %cond3A_81 {
      %mul3A_228 = arith.constant 40 : i32
      %mul3A_229 = arith.muli %add3A_76, %mul3A_228 : i32
      "tpu.region"() ({
        %run_scoped3A = tpu.sem_alloc : memref<!tpu.dma_semaphore, #tpu.memory_space<semaphore_mem>>
        %dma_start3A = arith.constant 0 : i32
        %dma_start3A_230 = tpu.memref_slice %arg11[%mul3A_229, %dma_start3A] : memref<10000x128xf32, #tpu.memory_space<vmem_shared>> -> memref<40x128xf32, #tpu.memory_space<vmem_shared>>
        %dma_start3A_231 = arith.constant 0 : i32
        %dma_start3A_232 = tpu.memref_slice %arg11[%mul3A_229, %dma_start3A_231] : memref<10000x128xf32, #tpu.memory_space<vmem_shared>> -> memref<40x128xf32, #tpu.memory_space<vmem_shared>>
        tpu.enqueue_dma source(%arg10 : memref<40x128xf32, #tpu.memory_space<vmem>>) target(%dma_start3A_232 : memref<40x128xf32, #tpu.memory_space<vmem_shared>>) target_semaphore(%run_scoped3A : memref<!tpu.dma_semaphore, #tpu.memory_space<semaphore_mem>>)
        %dma_wait3A = arith.constant 0 : i32
        %dma_wait3A_233 = tpu.memref_slice %arg11[%mul3A_229, %dma_wait3A] : memref<10000x128xf32, #tpu.memory_space<vmem_shared>> -> memref<40x128xf32, #tpu.memory_space<vmem_shared>>
        %dma_wait3A_234 = arith.constant 0 : i32
        %dma_wait3A_235 = tpu.memref_slice %arg11[%mul3A_229, %dma_wait3A_234] : memref<10000x128xf32, #tpu.memory_space<vmem_shared>> -> memref<40x128xf32, #tpu.memory_space<vmem_shared>>
        tpu.wait_dma2 semaphore(%run_scoped3A : memref<!tpu.dma_semaphore, #tpu.memory_space<semaphore_mem>>) src(%arg10 : memref<40x128xf32, #tpu.memory_space<vmem>>) dst(%dma_wait3A_235 : memref<40x128xf32, #tpu.memory_space<vmem_shared>>)
        tpu.yield
      }) : () -> ()
    } else {
    }
    %add3A_82 = arith.constant 192 : i32
    %add3A_83 = arith.addi %arg1, %add3A_82 : i32
    %lt3A_84 = arith.constant 250 : i32
    %lt3A_85 = arith.cmpi slt, %add3A_83, %lt3A_84 : i32
    %convert_element_type3A_86 = arith.extui %lt3A_85 : i1 to i32
    %cond3A_87 = arith.constant 0 : i32
    %cond3A_88 = arith.cmpi ne, %convert_element_type3A_86, %cond3A_87 : i32
    scf.if %cond3A_88 {
      %mul3A_228 = arith.constant 40 : i32
      %mul3A_229 = arith.muli %add3A_83, %mul3A_228 : i32
      "tpu.region"() ({
        %run_scoped3A = tpu.sem_alloc : memref<!tpu.dma_semaphore, #tpu.memory_space<semaphore_mem>>
        %dma_start3A = arith.constant 0 : i32
        %dma_start3A_230 = tpu.memref_slice %arg11[%mul3A_229, %dma_start3A] : memref<10000x128xf32, #tpu.memory_space<vmem_shared>> -> memref<40x128xf32, #tpu.memory_space<vmem_shared>>
        %dma_start3A_231 = arith.constant 0 : i32
        %dma_start3A_232 = tpu.memref_slice %arg11[%mul3A_229, %dma_start3A_231] : memref<10000x128xf32, #tpu.memory_space<vmem_shared>> -> memref<40x128xf32, #tpu.memory_space<vmem_shared>>
        tpu.enqueue_dma source(%arg10 : memref<40x128xf32, #tpu.memory_space<vmem>>) target(%dma_start3A_232 : memref<40x128xf32, #tpu.memory_space<vmem_shared>>) target_semaphore(%run_scoped3A : memref<!tpu.dma_semaphore, #tpu.memory_space<semaphore_mem>>)
        %dma_wait3A = arith.constant 0 : i32
        %dma_wait3A_233 = tpu.memref_slice %arg11[%mul3A_229, %dma_wait3A] : memref<10000x128xf32, #tpu.memory_space<vmem_shared>> -> memref<40x128xf32, #tpu.memory_space<vmem_shared>>
        %dma_wait3A_234 = arith.constant 0 : i32
        %dma_wait3A_235 = tpu.memref_slice %arg11[%mul3A_229, %dma_wait3A_234] : memref<10000x128xf32, #tpu.memory_space<vmem_shared>> -> memref<40x128xf32, #tpu.memory_space<vmem_shared>>
        tpu.wait_dma2 semaphore(%run_scoped3A : memref<!tpu.dma_semaphore, #tpu.memory_space<semaphore_mem>>) src(%arg10 : memref<40x128xf32, #tpu.memory_space<vmem>>) dst(%dma_wait3A_235 : memref<40x128xf32, #tpu.memory_space<vmem_shared>>)
        tpu.yield
      }) : () -> ()
    } else {
    }
    %add3A_89 = arith.constant 208 : i32
    %add3A_90 = arith.addi %arg1, %add3A_89 : i32
    %lt3A_91 = arith.constant 250 : i32
    %lt3A_92 = arith.cmpi slt, %add3A_90, %lt3A_91 : i32
    %convert_element_type3A_93 = arith.extui %lt3A_92 : i1 to i32
    %cond3A_94 = arith.constant 0 : i32
    %cond3A_95 = arith.cmpi ne, %convert_element_type3A_93, %cond3A_94 : i32
    scf.if %cond3A_95 {
      %mul3A_228 = arith.constant 40 : i32
      %mul3A_229 = arith.muli %add3A_90, %mul3A_228 : i32
      "tpu.region"() ({
        %run_scoped3A = tpu.sem_alloc : memref<!tpu.dma_semaphore, #tpu.memory_space<semaphore_mem>>
        %dma_start3A = arith.constant 0 : i32
        %dma_start3A_230 = tpu.memref_slice %arg11[%mul3A_229, %dma_start3A] : memref<10000x128xf32, #tpu.memory_space<vmem_shared>> -> memref<40x128xf32, #tpu.memory_space<vmem_shared>>
        %dma_start3A_231 = arith.constant 0 : i32
        %dma_start3A_232 = tpu.memref_slice %arg11[%mul3A_229, %dma_start3A_231] : memref<10000x128xf32, #tpu.memory_space<vmem_shared>> -> memref<40x128xf32, #tpu.memory_space<vmem_shared>>
        tpu.enqueue_dma source(%arg10 : memref<40x128xf32, #tpu.memory_space<vmem>>) target(%dma_start3A_232 : memref<40x128xf32, #tpu.memory_space<vmem_shared>>) target_semaphore(%run_scoped3A : memref<!tpu.dma_semaphore, #tpu.memory_space<semaphore_mem>>)
        %dma_wait3A = arith.constant 0 : i32
        %dma_wait3A_233 = tpu.memref_slice %arg11[%mul3A_229, %dma_wait3A] : memref<10000x128xf32, #tpu.memory_space<vmem_shared>> -> memref<40x128xf32, #tpu.memory_space<vmem_shared>>
        %dma_wait3A_234 = arith.constant 0 : i32
        %dma_wait3A_235 = tpu.memref_slice %arg11[%mul3A_229, %dma_wait3A_234] : memref<10000x128xf32, #tpu.memory_space<vmem_shared>> -> memref<40x128xf32, #tpu.memory_space<vmem_shared>>
        tpu.wait_dma2 semaphore(%run_scoped3A : memref<!tpu.dma_semaphore, #tpu.memory_space<semaphore_mem>>) src(%arg10 : memref<40x128xf32, #tpu.memory_space<vmem>>) dst(%dma_wait3A_235 : memref<40x128xf32, #tpu.memory_space<vmem_shared>>)
        tpu.yield
      }) : () -> ()
    } else {
    }
    %add3A_96 = arith.constant 224 : i32
    %add3A_97 = arith.addi %arg1, %add3A_96 : i32
    %lt3A_98 = arith.constant 250 : i32
    %lt3A_99 = arith.cmpi slt, %add3A_97, %lt3A_98 : i32
    %convert_element_type3A_100 = arith.extui %lt3A_99 : i1 to i32
    %cond3A_101 = arith.constant 0 : i32
    %cond3A_102 = arith.cmpi ne, %convert_element_type3A_100, %cond3A_101 : i32
    scf.if %cond3A_102 {
      %mul3A_228 = arith.constant 40 : i32
      %mul3A_229 = arith.muli %add3A_97, %mul3A_228 : i32
      "tpu.region"() ({
        %run_scoped3A = tpu.sem_alloc : memref<!tpu.dma_semaphore, #tpu.memory_space<semaphore_mem>>
        %dma_start3A = arith.constant 0 : i32
        %dma_start3A_230 = tpu.memref_slice %arg11[%mul3A_229, %dma_start3A] : memref<10000x128xf32, #tpu.memory_space<vmem_shared>> -> memref<40x128xf32, #tpu.memory_space<vmem_shared>>
        %dma_start3A_231 = arith.constant 0 : i32
        %dma_start3A_232 = tpu.memref_slice %arg11[%mul3A_229, %dma_start3A_231] : memref<10000x128xf32, #tpu.memory_space<vmem_shared>> -> memref<40x128xf32, #tpu.memory_space<vmem_shared>>
        tpu.enqueue_dma source(%arg10 : memref<40x128xf32, #tpu.memory_space<vmem>>) target(%dma_start3A_232 : memref<40x128xf32, #tpu.memory_space<vmem_shared>>) target_semaphore(%run_scoped3A : memref<!tpu.dma_semaphore, #tpu.memory_space<semaphore_mem>>)
        %dma_wait3A = arith.constant 0 : i32
        %dma_wait3A_233 = tpu.memref_slice %arg11[%mul3A_229, %dma_wait3A] : memref<10000x128xf32, #tpu.memory_space<vmem_shared>> -> memref<40x128xf32, #tpu.memory_space<vmem_shared>>
        %dma_wait3A_234 = arith.constant 0 : i32
        %dma_wait3A_235 = tpu.memref_slice %arg11[%mul3A_229, %dma_wait3A_234] : memref<10000x128xf32, #tpu.memory_space<vmem_shared>> -> memref<40x128xf32, #tpu.memory_space<vmem_shared>>
        tpu.wait_dma2 semaphore(%run_scoped3A : memref<!tpu.dma_semaphore, #tpu.memory_space<semaphore_mem>>) src(%arg10 : memref<40x128xf32, #tpu.memory_space<vmem>>) dst(%dma_wait3A_235 : memref<40x128xf32, #tpu.memory_space<vmem_shared>>)
        tpu.yield
      }) : () -> ()
    } else {
    }
    %add3A_103 = arith.constant 240 : i32
    %add3A_104 = arith.addi %arg1, %add3A_103 : i32
    %lt3A_105 = arith.constant 250 : i32
    %lt3A_106 = arith.cmpi slt, %add3A_104, %lt3A_105 : i32
    %convert_element_type3A_107 = arith.extui %lt3A_106 : i1 to i32
    %cond3A_108 = arith.constant 0 : i32
    %cond3A_109 = arith.cmpi ne, %convert_element_type3A_107, %cond3A_108 : i32
    scf.if %cond3A_109 {
      %mul3A_228 = arith.constant 40 : i32
      %mul3A_229 = arith.muli %add3A_104, %mul3A_228 : i32
      "tpu.region"() ({
        %run_scoped3A = tpu.sem_alloc : memref<!tpu.dma_semaphore, #tpu.memory_space<semaphore_mem>>
        %dma_start3A = arith.constant 0 : i32
        %dma_start3A_230 = tpu.memref_slice %arg11[%mul3A_229, %dma_start3A] : memref<10000x128xf32, #tpu.memory_space<vmem_shared>> -> memref<40x128xf32, #tpu.memory_space<vmem_shared>>
        %dma_start3A_231 = arith.constant 0 : i32
        %dma_start3A_232 = tpu.memref_slice %arg11[%mul3A_229, %dma_start3A_231] : memref<10000x128xf32, #tpu.memory_space<vmem_shared>> -> memref<40x128xf32, #tpu.memory_space<vmem_shared>>
        tpu.enqueue_dma source(%arg10 : memref<40x128xf32, #tpu.memory_space<vmem>>) target(%dma_start3A_232 : memref<40x128xf32, #tpu.memory_space<vmem_shared>>) target_semaphore(%run_scoped3A : memref<!tpu.dma_semaphore, #tpu.memory_space<semaphore_mem>>)
        %dma_wait3A = arith.constant 0 : i32
        %dma_wait3A_233 = tpu.memref_slice %arg11[%mul3A_229, %dma_wait3A] : memref<10000x128xf32, #tpu.memory_space<vmem_shared>> -> memref<40x128xf32, #tpu.memory_space<vmem_shared>>
        %dma_wait3A_234 = arith.constant 0 : i32
        %dma_wait3A_235 = tpu.memref_slice %arg11[%mul3A_229, %dma_wait3A_234] : memref<10000x128xf32, #tpu.memory_space<vmem_shared>> -> memref<40x128xf32, #tpu.memory_space<vmem_shared>>
        tpu.wait_dma2 semaphore(%run_scoped3A : memref<!tpu.dma_semaphore, #tpu.memory_space<semaphore_mem>>) src(%arg10 : memref<40x128xf32, #tpu.memory_space<vmem>>) dst(%dma_wait3A_235 : memref<40x128xf32, #tpu.memory_space<vmem_shared>>)
        tpu.yield
      }) : () -> ()
    } else {
    }
    %barrier3A = arith.constant 0 : index
    tpu.barrier barrier_id(%barrier3A)
    %scan3A = arith.constant 0 : i32
    %scan3A_110 = arith.constant 0 : i32
    %scan3A_111 = arith.constant 125 : i32
    %scan3A_112 = arith.addi %scan3A_110, %scan3A_111 : i32
    %scan3A_113 = arith.constant 1 : i32
    scf.for %scan3A_228 = %scan3A_110 to %scan3A_112 step %scan3A_113  : i32 {
      %dma_start3A = arith.constant 0 : i32
      %dma_start3A_229 = tpu.memref_slice %arg7[%scan3A_228, %dma_start3A] : memref<125x80xi32, #tpu.memory_space<vmem>> -> memref<1x80xi32, #tpu.memory_space<vmem>>
      %dma_start3A_230 = tpu.memref_squeeze %dma_start3A_229 : memref<1x80xi32, #tpu.memory_space<vmem>> -> memref<80xi32, #tpu.memory_space<vmem>>
      %dma_start3A_231 = arith.constant 0 : i32
      %dma_start3A_232 = arith.constant 0 : i32
      %dma_start3A_233 = tpu.memref_slice %arg2[%dma_start3A_231, %dma_start3A_232] : memref<20000x128xf32, #tpu.memory_space<hbm>> -> memref<20000x128xf32, #tpu.memory_space<hbm>>
      tpu.enqueue_indirect_dma source(%dma_start3A_233 : memref<20000x128xf32, #tpu.memory_space<hbm>>) target(%arg9 : memref<80x128xf32, #tpu.memory_space<vmem>>) offsets(%dma_start3A_230 : memref<80xi32, #tpu.memory_space<vmem>>) semaphore(%arg12 : memref<!tpu.dma_semaphore, #tpu.memory_space<semaphore_mem>>)
      %dma_wait3A = arith.constant 0 : i32
      %dma_wait3A_234 = tpu.memref_slice %arg7[%scan3A_228, %dma_wait3A] : memref<125x80xi32, #tpu.memory_space<vmem>> -> memref<1x80xi32, #tpu.memory_space<vmem>>
      %dma_wait3A_235 = tpu.memref_squeeze %dma_wait3A_234 : memref<1x80xi32, #tpu.memory_space<vmem>> -> memref<80xi32, #tpu.memory_space<vmem>>
      %dma_wait3A_236 = arith.constant 0 : i32
      %dma_wait3A_237 = arith.constant 0 : i32
      %dma_wait3A_238 = tpu.memref_slice %arg2[%dma_wait3A_236, %dma_wait3A_237] : memref<20000x128xf32, #tpu.memory_space<hbm>> -> memref<20000x128xf32, #tpu.memory_space<hbm>>
      tpu.wait_indirect_dma semaphore(%arg12 : memref<!tpu.dma_semaphore, #tpu.memory_space<semaphore_mem>>) src(%dma_wait3A_238 : memref<20000x128xf32, #tpu.memory_space<hbm>>) dst(%arg9 : memref<80x128xf32, #tpu.memory_space<vmem>>)
      "tpu.region"() ({
        %run_scoped3A = tpu.sem_alloc : memref<!tpu.dma_semaphore, #tpu.memory_space<semaphore_mem>>
        %dma_start3A_239 = arith.constant 0 : i32
        %dma_start3A_240 = tpu.memref_slice %arg8[%scan3A_228, %dma_start3A_239] : memref<125x80xi32, #tpu.memory_space<vmem>> -> memref<1x80xi32, #tpu.memory_space<vmem>>
        %dma_start3A_241 = tpu.memref_squeeze %dma_start3A_240 : memref<1x80xi32, #tpu.memory_space<vmem>> -> memref<80xi32, #tpu.memory_space<vmem>>
        %dma_start3A_242 = arith.constant 0 : i32
        %dma_start3A_243 = arith.constant 0 : i32
        %dma_start3A_244 = tpu.memref_slice %arg11[%dma_start3A_242, %dma_start3A_243] : memref<10000x128xf32, #tpu.memory_space<vmem_shared>> -> memref<10000x128xf32, #tpu.memory_space<vmem_shared>>
        tpu.enqueue_indirect_dma source(%arg9 : memref<80x128xf32, #tpu.memory_space<vmem>>) target(%dma_start3A_244 : memref<10000x128xf32, #tpu.memory_space<vmem_shared>>) offsets(%dma_start3A_241 : memref<80xi32, #tpu.memory_space<vmem>>) semaphore(%run_scoped3A : memref<!tpu.dma_semaphore, #tpu.memory_space<semaphore_mem>>) {add = true}
        %dma_wait3A_245 = arith.constant 0 : i32
        %dma_wait3A_246 = tpu.memref_slice %arg8[%scan3A_228, %dma_wait3A_245] : memref<125x80xi32, #tpu.memory_space<vmem>> -> memref<1x80xi32, #tpu.memory_space<vmem>>
        %dma_wait3A_247 = tpu.memref_squeeze %dma_wait3A_246 : memref<1x80xi32, #tpu.memory_space<vmem>> -> memref<80xi32, #tpu.memory_space<vmem>>
        %dma_wait3A_248 = arith.constant 0 : i32
        %dma_wait3A_249 = arith.constant 0 : i32
        %dma_wait3A_250 = tpu.memref_slice %arg11[%dma_wait3A_248, %dma_wait3A_249] : memref<10000x128xf32, #tpu.memory_space<vmem_shared>> -> memref<10000x128xf32, #tpu.memory_space<vmem_shared>>
        tpu.wait_indirect_dma semaphore(%run_scoped3A : memref<!tpu.dma_semaphore, #tpu.memory_space<semaphore_mem>>) src(%arg9 : memref<80x128xf32, #tpu.memory_space<vmem>>) dst(%dma_wait3A_250 : memref<10000x128xf32, #tpu.memory_space<vmem_shared>>)
        tpu.yield
      }) : () -> ()
    }
    %scan3A_114 = arith.constant 125 : i32
    %barrier3A_115 = arith.constant 0 : index
    tpu.barrier barrier_id(%barrier3A_115)
    %add3A_116 = arith.constant 0 : i32
    %add3A_117 = arith.addi %arg1, %add3A_116 : i32
    %lt3A_118 = arith.constant 250 : i32
    %lt3A_119 = arith.cmpi slt, %add3A_117, %lt3A_118 : i32
    %convert_element_type3A_120 = arith.extui %lt3A_119 : i1 to i32
    %cond3A_121 = arith.constant 0 : i32
    %cond3A_122 = arith.cmpi ne, %convert_element_type3A_120, %cond3A_121 : i32
    scf.if %cond3A_122 {
      %mul3A_228 = arith.constant 40 : i32
      %mul3A_229 = arith.muli %add3A_117, %mul3A_228 : i32
      "tpu.region"() ({
        %run_scoped3A = tpu.sem_alloc : memref<!tpu.dma_semaphore, #tpu.memory_space<semaphore_mem>>
        %dma_start3A = arith.constant 0 : i32
        %dma_start3A_235 = tpu.memref_slice %arg11[%mul3A_229, %dma_start3A] : memref<10000x128xf32, #tpu.memory_space<vmem_shared>> -> memref<40x128xf32, #tpu.memory_space<vmem_shared>>
        %dma_start3A_236 = arith.constant 0 : i32
        %dma_start3A_237 = tpu.memref_slice %arg11[%mul3A_229, %dma_start3A_236] : memref<10000x128xf32, #tpu.memory_space<vmem_shared>> -> memref<40x128xf32, #tpu.memory_space<vmem_shared>>
        tpu.enqueue_dma source(%dma_start3A_237 : memref<40x128xf32, #tpu.memory_space<vmem_shared>>) target(%arg10 : memref<40x128xf32, #tpu.memory_space<vmem>>) target_semaphore(%run_scoped3A : memref<!tpu.dma_semaphore, #tpu.memory_space<semaphore_mem>>)
        %dma_wait3A = arith.constant 0 : i32
        %dma_wait3A_238 = tpu.memref_slice %arg11[%mul3A_229, %dma_wait3A] : memref<10000x128xf32, #tpu.memory_space<vmem_shared>> -> memref<40x128xf32, #tpu.memory_space<vmem_shared>>
        %dma_wait3A_239 = arith.constant 0 : i32
        %dma_wait3A_240 = tpu.memref_slice %arg11[%mul3A_229, %dma_wait3A_239] : memref<10000x128xf32, #tpu.memory_space<vmem_shared>> -> memref<40x128xf32, #tpu.memory_space<vmem_shared>>
        tpu.wait_dma2 semaphore(%run_scoped3A : memref<!tpu.dma_semaphore, #tpu.memory_space<semaphore_mem>>) src(%dma_wait3A_240 : memref<40x128xf32, #tpu.memory_space<vmem_shared>>) dst(%arg10 : memref<40x128xf32, #tpu.memory_space<vmem>>)
        tpu.yield
      }) : () -> ()
      %mul3A_230 = arith.constant 10000 : i32
      %mul3A_231 = arith.muli %arg0, %mul3A_230 : i32
      %mul3A_232 = arith.constant 40 : i32
      %mul3A_233 = arith.muli %add3A_117, %mul3A_232 : i32
      %add3A_234 = arith.addi %mul3A_231, %mul3A_233 : i32
      "tpu.region"() ({
        %run_scoped3A = tpu.sem_alloc : memref<!tpu.dma_semaphore, #tpu.memory_space<semaphore_mem>>
        %dma_start3A = arith.constant 0 : i32
        %dma_start3A_235 = tpu.memref_slice %arg6[%add3A_234, %dma_start3A] : memref<20000x128xf32, #tpu.memory_space<hbm>> -> memref<40x128xf32, #tpu.memory_space<hbm>>
        %dma_start3A_236 = arith.constant 0 : i32
        %dma_start3A_237 = tpu.memref_slice %arg6[%add3A_234, %dma_start3A_236] : memref<20000x128xf32, #tpu.memory_space<hbm>> -> memref<40x128xf32, #tpu.memory_space<hbm>>
        tpu.enqueue_dma source(%arg10 : memref<40x128xf32, #tpu.memory_space<vmem>>) target(%dma_start3A_237 : memref<40x128xf32, #tpu.memory_space<hbm>>) target_semaphore(%run_scoped3A : memref<!tpu.dma_semaphore, #tpu.memory_space<semaphore_mem>>)
        %dma_wait3A = arith.constant 0 : i32
        %dma_wait3A_238 = tpu.memref_slice %arg6[%add3A_234, %dma_wait3A] : memref<20000x128xf32, #tpu.memory_space<hbm>> -> memref<40x128xf32, #tpu.memory_space<hbm>>
        %dma_wait3A_239 = arith.constant 0 : i32
        %dma_wait3A_240 = tpu.memref_slice %arg6[%add3A_234, %dma_wait3A_239] : memref<20000x128xf32, #tpu.memory_space<hbm>> -> memref<40x128xf32, #tpu.memory_space<hbm>>
        tpu.wait_dma2 semaphore(%run_scoped3A : memref<!tpu.dma_semaphore, #tpu.memory_space<semaphore_mem>>) src(%arg10 : memref<40x128xf32, #tpu.memory_space<vmem>>) dst(%dma_wait3A_240 : memref<40x128xf32, #tpu.memory_space<hbm>>)
        tpu.yield
      }) : () -> ()
    } else {
    }
    %add3A_123 = arith.constant 16 : i32
    %add3A_124 = arith.addi %arg1, %add3A_123 : i32
    %lt3A_125 = arith.constant 250 : i32
    %lt3A_126 = arith.cmpi slt, %add3A_124, %lt3A_125 : i32
    %convert_element_type3A_127 = arith.extui %lt3A_126 : i1 to i32
    %cond3A_128 = arith.constant 0 : i32
    %cond3A_129 = arith.cmpi ne, %convert_element_type3A_127, %cond3A_128 : i32
    scf.if %cond3A_129 {
      %mul3A_228 = arith.constant 40 : i32
      %mul3A_229 = arith.muli %add3A_124, %mul3A_228 : i32
      "tpu.region"() ({
        %run_scoped3A = tpu.sem_alloc : memref<!tpu.dma_semaphore, #tpu.memory_space<semaphore_mem>>
        %dma_start3A = arith.constant 0 : i32
        %dma_start3A_235 = tpu.memref_slice %arg11[%mul3A_229, %dma_start3A] : memref<10000x128xf32, #tpu.memory_space<vmem_shared>> -> memref<40x128xf32, #tpu.memory_space<vmem_shared>>
        %dma_start3A_236 = arith.constant 0 : i32
        %dma_start3A_237 = tpu.memref_slice %arg11[%mul3A_229, %dma_start3A_236] : memref<10000x128xf32, #tpu.memory_space<vmem_shared>> -> memref<40x128xf32, #tpu.memory_space<vmem_shared>>
        tpu.enqueue_dma source(%dma_start3A_237 : memref<40x128xf32, #tpu.memory_space<vmem_shared>>) target(%arg10 : memref<40x128xf32, #tpu.memory_space<vmem>>) target_semaphore(%run_scoped3A : memref<!tpu.dma_semaphore, #tpu.memory_space<semaphore_mem>>)
        %dma_wait3A = arith.constant 0 : i32
        %dma_wait3A_238 = tpu.memref_slice %arg11[%mul3A_229, %dma_wait3A] : memref<10000x128xf32, #tpu.memory_space<vmem_shared>> -> memref<40x128xf32, #tpu.memory_space<vmem_shared>>
        %dma_wait3A_239 = arith.constant 0 : i32
        %dma_wait3A_240 = tpu.memref_slice %arg11[%mul3A_229, %dma_wait3A_239] : memref<10000x128xf32, #tpu.memory_space<vmem_shared>> -> memref<40x128xf32, #tpu.memory_space<vmem_shared>>
        tpu.wait_dma2 semaphore(%run_scoped3A : memref<!tpu.dma_semaphore, #tpu.memory_space<semaphore_mem>>) src(%dma_wait3A_240 : memref<40x128xf32, #tpu.memory_space<vmem_shared>>) dst(%arg10 : memref<40x128xf32, #tpu.memory_space<vmem>>)
        tpu.yield
      }) : () -> ()
      %mul3A_230 = arith.constant 10000 : i32
      %mul3A_231 = arith.muli %arg0, %mul3A_230 : i32
      %mul3A_232 = arith.constant 40 : i32
      %mul3A_233 = arith.muli %add3A_124, %mul3A_232 : i32
      %add3A_234 = arith.addi %mul3A_231, %mul3A_233 : i32
      "tpu.region"() ({
        %run_scoped3A = tpu.sem_alloc : memref<!tpu.dma_semaphore, #tpu.memory_space<semaphore_mem>>
        %dma_start3A = arith.constant 0 : i32
        %dma_start3A_235 = tpu.memref_slice %arg6[%add3A_234, %dma_start3A] : memref<20000x128xf32, #tpu.memory_space<hbm>> -> memref<40x128xf32, #tpu.memory_space<hbm>>
        %dma_start3A_236 = arith.constant 0 : i32
        %dma_start3A_237 = tpu.memref_slice %arg6[%add3A_234, %dma_start3A_236] : memref<20000x128xf32, #tpu.memory_space<hbm>> -> memref<40x128xf32, #tpu.memory_space<hbm>>
        tpu.enqueue_dma source(%arg10 : memref<40x128xf32, #tpu.memory_space<vmem>>) target(%dma_start3A_237 : memref<40x128xf32, #tpu.memory_space<hbm>>) target_semaphore(%run_scoped3A : memref<!tpu.dma_semaphore, #tpu.memory_space<semaphore_mem>>)
        %dma_wait3A = arith.constant 0 : i32
        %dma_wait3A_238 = tpu.memref_slice %arg6[%add3A_234, %dma_wait3A] : memref<20000x128xf32, #tpu.memory_space<hbm>> -> memref<40x128xf32, #tpu.memory_space<hbm>>
        %dma_wait3A_239 = arith.constant 0 : i32
        %dma_wait3A_240 = tpu.memref_slice %arg6[%add3A_234, %dma_wait3A_239] : memref<20000x128xf32, #tpu.memory_space<hbm>> -> memref<40x128xf32, #tpu.memory_space<hbm>>
        tpu.wait_dma2 semaphore(%run_scoped3A : memref<!tpu.dma_semaphore, #tpu.memory_space<semaphore_mem>>) src(%arg10 : memref<40x128xf32, #tpu.memory_space<vmem>>) dst(%dma_wait3A_240 : memref<40x128xf32, #tpu.memory_space<hbm>>)
        tpu.yield
      }) : () -> ()
    } else {
    }
    %add3A_130 = arith.constant 32 : i32
    %add3A_131 = arith.addi %arg1, %add3A_130 : i32
    %lt3A_132 = arith.constant 250 : i32
    %lt3A_133 = arith.cmpi slt, %add3A_131, %lt3A_132 : i32
    %convert_element_type3A_134 = arith.extui %lt3A_133 : i1 to i32
    %cond3A_135 = arith.constant 0 : i32
    %cond3A_136 = arith.cmpi ne, %convert_element_type3A_134, %cond3A_135 : i32
    scf.if %cond3A_136 {
      %mul3A_228 = arith.constant 40 : i32
      %mul3A_229 = arith.muli %add3A_131, %mul3A_228 : i32
      "tpu.region"() ({
        %run_scoped3A = tpu.sem_alloc : memref<!tpu.dma_semaphore, #tpu.memory_space<semaphore_mem>>
        %dma_start3A = arith.constant 0 : i32
        %dma_start3A_235 = tpu.memref_slice %arg11[%mul3A_229, %dma_start3A] : memref<10000x128xf32, #tpu.memory_space<vmem_shared>> -> memref<40x128xf32, #tpu.memory_space<vmem_shared>>
        %dma_start3A_236 = arith.constant 0 : i32
        %dma_start3A_237 = tpu.memref_slice %arg11[%mul3A_229, %dma_start3A_236] : memref<10000x128xf32, #tpu.memory_space<vmem_shared>> -> memref<40x128xf32, #tpu.memory_space<vmem_shared>>
        tpu.enqueue_dma source(%dma_start3A_237 : memref<40x128xf32, #tpu.memory_space<vmem_shared>>) target(%arg10 : memref<40x128xf32, #tpu.memory_space<vmem>>) target_semaphore(%run_scoped3A : memref<!tpu.dma_semaphore, #tpu.memory_space<semaphore_mem>>)
        %dma_wait3A = arith.constant 0 : i32
        %dma_wait3A_238 = tpu.memref_slice %arg11[%mul3A_229, %dma_wait3A] : memref<10000x128xf32, #tpu.memory_space<vmem_shared>> -> memref<40x128xf32, #tpu.memory_space<vmem_shared>>
        %dma_wait3A_239 = arith.constant 0 : i32
        %dma_wait3A_240 = tpu.memref_slice %arg11[%mul3A_229, %dma_wait3A_239] : memref<10000x128xf32, #tpu.memory_space<vmem_shared>> -> memref<40x128xf32, #tpu.memory_space<vmem_shared>>
        tpu.wait_dma2 semaphore(%run_scoped3A : memref<!tpu.dma_semaphore, #tpu.memory_space<semaphore_mem>>) src(%dma_wait3A_240 : memref<40x128xf32, #tpu.memory_space<vmem_shared>>) dst(%arg10 : memref<40x128xf32, #tpu.memory_space<vmem>>)
        tpu.yield
      }) : () -> ()
      %mul3A_230 = arith.constant 10000 : i32
      %mul3A_231 = arith.muli %arg0, %mul3A_230 : i32
      %mul3A_232 = arith.constant 40 : i32
      %mul3A_233 = arith.muli %add3A_131, %mul3A_232 : i32
      %add3A_234 = arith.addi %mul3A_231, %mul3A_233 : i32
      "tpu.region"() ({
        %run_scoped3A = tpu.sem_alloc : memref<!tpu.dma_semaphore, #tpu.memory_space<semaphore_mem>>
        %dma_start3A = arith.constant 0 : i32
        %dma_start3A_235 = tpu.memref_slice %arg6[%add3A_234, %dma_start3A] : memref<20000x128xf32, #tpu.memory_space<hbm>> -> memref<40x128xf32, #tpu.memory_space<hbm>>
        %dma_start3A_236 = arith.constant 0 : i32
        %dma_start3A_237 = tpu.memref_slice %arg6[%add3A_234, %dma_start3A_236] : memref<20000x128xf32, #tpu.memory_space<hbm>> -> memref<40x128xf32, #tpu.memory_space<hbm>>
        tpu.enqueue_dma source(%arg10 : memref<40x128xf32, #tpu.memory_space<vmem>>) target(%dma_start3A_237 : memref<40x128xf32, #tpu.memory_space<hbm>>) target_semaphore(%run_scoped3A : memref<!tpu.dma_semaphore, #tpu.memory_space<semaphore_mem>>)
        %dma_wait3A = arith.constant 0 : i32
        %dma_wait3A_238 = tpu.memref_slice %arg6[%add3A_234, %dma_wait3A] : memref<20000x128xf32, #tpu.memory_space<hbm>> -> memref<40x128xf32, #tpu.memory_space<hbm>>
        %dma_wait3A_239 = arith.constant 0 : i32
        %dma_wait3A_240 = tpu.memref_slice %arg6[%add3A_234, %dma_wait3A_239] : memref<20000x128xf32, #tpu.memory_space<hbm>> -> memref<40x128xf32, #tpu.memory_space<hbm>>
        tpu.wait_dma2 semaphore(%run_scoped3A : memref<!tpu.dma_semaphore, #tpu.memory_space<semaphore_mem>>) src(%arg10 : memref<40x128xf32, #tpu.memory_space<vmem>>) dst(%dma_wait3A_240 : memref<40x128xf32, #tpu.memory_space<hbm>>)
        tpu.yield
      }) : () -> ()
    } else {
    }
    %add3A_137 = arith.constant 48 : i32
    %add3A_138 = arith.addi %arg1, %add3A_137 : i32
    %lt3A_139 = arith.constant 250 : i32
    %lt3A_140 = arith.cmpi slt, %add3A_138, %lt3A_139 : i32
    %convert_element_type3A_141 = arith.extui %lt3A_140 : i1 to i32
    %cond3A_142 = arith.constant 0 : i32
    %cond3A_143 = arith.cmpi ne, %convert_element_type3A_141, %cond3A_142 : i32
    scf.if %cond3A_143 {
      %mul3A_228 = arith.constant 40 : i32
      %mul3A_229 = arith.muli %add3A_138, %mul3A_228 : i32
      "tpu.region"() ({
        %run_scoped3A = tpu.sem_alloc : memref<!tpu.dma_semaphore, #tpu.memory_space<semaphore_mem>>
        %dma_start3A = arith.constant 0 : i32
        %dma_start3A_235 = tpu.memref_slice %arg11[%mul3A_229, %dma_start3A] : memref<10000x128xf32, #tpu.memory_space<vmem_shared>> -> memref<40x128xf32, #tpu.memory_space<vmem_shared>>
        %dma_start3A_236 = arith.constant 0 : i32
        %dma_start3A_237 = tpu.memref_slice %arg11[%mul3A_229, %dma_start3A_236] : memref<10000x128xf32, #tpu.memory_space<vmem_shared>> -> memref<40x128xf32, #tpu.memory_space<vmem_shared>>
        tpu.enqueue_dma source(%dma_start3A_237 : memref<40x128xf32, #tpu.memory_space<vmem_shared>>) target(%arg10 : memref<40x128xf32, #tpu.memory_space<vmem>>) target_semaphore(%run_scoped3A : memref<!tpu.dma_semaphore, #tpu.memory_space<semaphore_mem>>)
        %dma_wait3A = arith.constant 0 : i32
        %dma_wait3A_238 = tpu.memref_slice %arg11[%mul3A_229, %dma_wait3A] : memref<10000x128xf32, #tpu.memory_space<vmem_shared>> -> memref<40x128xf32, #tpu.memory_space<vmem_shared>>
        %dma_wait3A_239 = arith.constant 0 : i32
        %dma_wait3A_240 = tpu.memref_slice %arg11[%mul3A_229, %dma_wait3A_239] : memref<10000x128xf32, #tpu.memory_space<vmem_shared>> -> memref<40x128xf32, #tpu.memory_space<vmem_shared>>
        tpu.wait_dma2 semaphore(%run_scoped3A : memref<!tpu.dma_semaphore, #tpu.memory_space<semaphore_mem>>) src(%dma_wait3A_240 : memref<40x128xf32, #tpu.memory_space<vmem_shared>>) dst(%arg10 : memref<40x128xf32, #tpu.memory_space<vmem>>)
        tpu.yield
      }) : () -> ()
      %mul3A_230 = arith.constant 10000 : i32
      %mul3A_231 = arith.muli %arg0, %mul3A_230 : i32
      %mul3A_232 = arith.constant 40 : i32
      %mul3A_233 = arith.muli %add3A_138, %mul3A_232 : i32
      %add3A_234 = arith.addi %mul3A_231, %mul3A_233 : i32
      "tpu.region"() ({
        %run_scoped3A = tpu.sem_alloc : memref<!tpu.dma_semaphore, #tpu.memory_space<semaphore_mem>>
        %dma_start3A = arith.constant 0 : i32
        %dma_start3A_235 = tpu.memref_slice %arg6[%add3A_234, %dma_start3A] : memref<20000x128xf32, #tpu.memory_space<hbm>> -> memref<40x128xf32, #tpu.memory_space<hbm>>
        %dma_start3A_236 = arith.constant 0 : i32
        %dma_start3A_237 = tpu.memref_slice %arg6[%add3A_234, %dma_start3A_236] : memref<20000x128xf32, #tpu.memory_space<hbm>> -> memref<40x128xf32, #tpu.memory_space<hbm>>
        tpu.enqueue_dma source(%arg10 : memref<40x128xf32, #tpu.memory_space<vmem>>) target(%dma_start3A_237 : memref<40x128xf32, #tpu.memory_space<hbm>>) target_semaphore(%run_scoped3A : memref<!tpu.dma_semaphore, #tpu.memory_space<semaphore_mem>>)
        %dma_wait3A = arith.constant 0 : i32
        %dma_wait3A_238 = tpu.memref_slice %arg6[%add3A_234, %dma_wait3A] : memref<20000x128xf32, #tpu.memory_space<hbm>> -> memref<40x128xf32, #tpu.memory_space<hbm>>
        %dma_wait3A_239 = arith.constant 0 : i32
        %dma_wait3A_240 = tpu.memref_slice %arg6[%add3A_234, %dma_wait3A_239] : memref<20000x128xf32, #tpu.memory_space<hbm>> -> memref<40x128xf32, #tpu.memory_space<hbm>>
        tpu.wait_dma2 semaphore(%run_scoped3A : memref<!tpu.dma_semaphore, #tpu.memory_space<semaphore_mem>>) src(%arg10 : memref<40x128xf32, #tpu.memory_space<vmem>>) dst(%dma_wait3A_240 : memref<40x128xf32, #tpu.memory_space<hbm>>)
        tpu.yield
      }) : () -> ()
    } else {
    }
    %add3A_144 = arith.constant 64 : i32
    %add3A_145 = arith.addi %arg1, %add3A_144 : i32
    %lt3A_146 = arith.constant 250 : i32
    %lt3A_147 = arith.cmpi slt, %add3A_145, %lt3A_146 : i32
    %convert_element_type3A_148 = arith.extui %lt3A_147 : i1 to i32
    %cond3A_149 = arith.constant 0 : i32
    %cond3A_150 = arith.cmpi ne, %convert_element_type3A_148, %cond3A_149 : i32
    scf.if %cond3A_150 {
      %mul3A_228 = arith.constant 40 : i32
      %mul3A_229 = arith.muli %add3A_145, %mul3A_228 : i32
      "tpu.region"() ({
        %run_scoped3A = tpu.sem_alloc : memref<!tpu.dma_semaphore, #tpu.memory_space<semaphore_mem>>
        %dma_start3A = arith.constant 0 : i32
        %dma_start3A_235 = tpu.memref_slice %arg11[%mul3A_229, %dma_start3A] : memref<10000x128xf32, #tpu.memory_space<vmem_shared>> -> memref<40x128xf32, #tpu.memory_space<vmem_shared>>
        %dma_start3A_236 = arith.constant 0 : i32
        %dma_start3A_237 = tpu.memref_slice %arg11[%mul3A_229, %dma_start3A_236] : memref<10000x128xf32, #tpu.memory_space<vmem_shared>> -> memref<40x128xf32, #tpu.memory_space<vmem_shared>>
        tpu.enqueue_dma source(%dma_start3A_237 : memref<40x128xf32, #tpu.memory_space<vmem_shared>>) target(%arg10 : memref<40x128xf32, #tpu.memory_space<vmem>>) target_semaphore(%run_scoped3A : memref<!tpu.dma_semaphore, #tpu.memory_space<semaphore_mem>>)
        %dma_wait3A = arith.constant 0 : i32
        %dma_wait3A_238 = tpu.memref_slice %arg11[%mul3A_229, %dma_wait3A] : memref<10000x128xf32, #tpu.memory_space<vmem_shared>> -> memref<40x128xf32, #tpu.memory_space<vmem_shared>>
        %dma_wait3A_239 = arith.constant 0 : i32
        %dma_wait3A_240 = tpu.memref_slice %arg11[%mul3A_229, %dma_wait3A_239] : memref<10000x128xf32, #tpu.memory_space<vmem_shared>> -> memref<40x128xf32, #tpu.memory_space<vmem_shared>>
        tpu.wait_dma2 semaphore(%run_scoped3A : memref<!tpu.dma_semaphore, #tpu.memory_space<semaphore_mem>>) src(%dma_wait3A_240 : memref<40x128xf32, #tpu.memory_space<vmem_shared>>) dst(%arg10 : memref<40x128xf32, #tpu.memory_space<vmem>>)
        tpu.yield
      }) : () -> ()
      %mul3A_230 = arith.constant 10000 : i32
      %mul3A_231 = arith.muli %arg0, %mul3A_230 : i32
      %mul3A_232 = arith.constant 40 : i32
      %mul3A_233 = arith.muli %add3A_145, %mul3A_232 : i32
      %add3A_234 = arith.addi %mul3A_231, %mul3A_233 : i32
      "tpu.region"() ({
        %run_scoped3A = tpu.sem_alloc : memref<!tpu.dma_semaphore, #tpu.memory_space<semaphore_mem>>
        %dma_start3A = arith.constant 0 : i32
        %dma_start3A_235 = tpu.memref_slice %arg6[%add3A_234, %dma_start3A] : memref<20000x128xf32, #tpu.memory_space<hbm>> -> memref<40x128xf32, #tpu.memory_space<hbm>>
        %dma_start3A_236 = arith.constant 0 : i32
        %dma_start3A_237 = tpu.memref_slice %arg6[%add3A_234, %dma_start3A_236] : memref<20000x128xf32, #tpu.memory_space<hbm>> -> memref<40x128xf32, #tpu.memory_space<hbm>>
        tpu.enqueue_dma source(%arg10 : memref<40x128xf32, #tpu.memory_space<vmem>>) target(%dma_start3A_237 : memref<40x128xf32, #tpu.memory_space<hbm>>) target_semaphore(%run_scoped3A : memref<!tpu.dma_semaphore, #tpu.memory_space<semaphore_mem>>)
        %dma_wait3A = arith.constant 0 : i32
        %dma_wait3A_238 = tpu.memref_slice %arg6[%add3A_234, %dma_wait3A] : memref<20000x128xf32, #tpu.memory_space<hbm>> -> memref<40x128xf32, #tpu.memory_space<hbm>>
        %dma_wait3A_239 = arith.constant 0 : i32
        %dma_wait3A_240 = tpu.memref_slice %arg6[%add3A_234, %dma_wait3A_239] : memref<20000x128xf32, #tpu.memory_space<hbm>> -> memref<40x128xf32, #tpu.memory_space<hbm>>
        tpu.wait_dma2 semaphore(%run_scoped3A : memref<!tpu.dma_semaphore, #tpu.memory_space<semaphore_mem>>) src(%arg10 : memref<40x128xf32, #tpu.memory_space<vmem>>) dst(%dma_wait3A_240 : memref<40x128xf32, #tpu.memory_space<hbm>>)
        tpu.yield
      }) : () -> ()
    } else {
    }
    %add3A_151 = arith.constant 80 : i32
    %add3A_152 = arith.addi %arg1, %add3A_151 : i32
    %lt3A_153 = arith.constant 250 : i32
    %lt3A_154 = arith.cmpi slt, %add3A_152, %lt3A_153 : i32
    %convert_element_type3A_155 = arith.extui %lt3A_154 : i1 to i32
    %cond3A_156 = arith.constant 0 : i32
    %cond3A_157 = arith.cmpi ne, %convert_element_type3A_155, %cond3A_156 : i32
    scf.if %cond3A_157 {
      %mul3A_228 = arith.constant 40 : i32
      %mul3A_229 = arith.muli %add3A_152, %mul3A_228 : i32
      "tpu.region"() ({
        %run_scoped3A = tpu.sem_alloc : memref<!tpu.dma_semaphore, #tpu.memory_space<semaphore_mem>>
        %dma_start3A = arith.constant 0 : i32
        %dma_start3A_235 = tpu.memref_slice %arg11[%mul3A_229, %dma_start3A] : memref<10000x128xf32, #tpu.memory_space<vmem_shared>> -> memref<40x128xf32, #tpu.memory_space<vmem_shared>>
        %dma_start3A_236 = arith.constant 0 : i32
        %dma_start3A_237 = tpu.memref_slice %arg11[%mul3A_229, %dma_start3A_236] : memref<10000x128xf32, #tpu.memory_space<vmem_shared>> -> memref<40x128xf32, #tpu.memory_space<vmem_shared>>
        tpu.enqueue_dma source(%dma_start3A_237 : memref<40x128xf32, #tpu.memory_space<vmem_shared>>) target(%arg10 : memref<40x128xf32, #tpu.memory_space<vmem>>) target_semaphore(%run_scoped3A : memref<!tpu.dma_semaphore, #tpu.memory_space<semaphore_mem>>)
        %dma_wait3A = arith.constant 0 : i32
        %dma_wait3A_238 = tpu.memref_slice %arg11[%mul3A_229, %dma_wait3A] : memref<10000x128xf32, #tpu.memory_space<vmem_shared>> -> memref<40x128xf32, #tpu.memory_space<vmem_shared>>
        %dma_wait3A_239 = arith.constant 0 : i32
        %dma_wait3A_240 = tpu.memref_slice %arg11[%mul3A_229, %dma_wait3A_239] : memref<10000x128xf32, #tpu.memory_space<vmem_shared>> -> memref<40x128xf32, #tpu.memory_space<vmem_shared>>
        tpu.wait_dma2 semaphore(%run_scoped3A : memref<!tpu.dma_semaphore, #tpu.memory_space<semaphore_mem>>) src(%dma_wait3A_240 : memref<40x128xf32, #tpu.memory_space<vmem_shared>>) dst(%arg10 : memref<40x128xf32, #tpu.memory_space<vmem>>)
        tpu.yield
      }) : () -> ()
      %mul3A_230 = arith.constant 10000 : i32
      %mul3A_231 = arith.muli %arg0, %mul3A_230 : i32
      %mul3A_232 = arith.constant 40 : i32
      %mul3A_233 = arith.muli %add3A_152, %mul3A_232 : i32
      %add3A_234 = arith.addi %mul3A_231, %mul3A_233 : i32
      "tpu.region"() ({
        %run_scoped3A = tpu.sem_alloc : memref<!tpu.dma_semaphore, #tpu.memory_space<semaphore_mem>>
        %dma_start3A = arith.constant 0 : i32
        %dma_start3A_235 = tpu.memref_slice %arg6[%add3A_234, %dma_start3A] : memref<20000x128xf32, #tpu.memory_space<hbm>> -> memref<40x128xf32, #tpu.memory_space<hbm>>
        %dma_start3A_236 = arith.constant 0 : i32
        %dma_start3A_237 = tpu.memref_slice %arg6[%add3A_234, %dma_start3A_236] : memref<20000x128xf32, #tpu.memory_space<hbm>> -> memref<40x128xf32, #tpu.memory_space<hbm>>
        tpu.enqueue_dma source(%arg10 : memref<40x128xf32, #tpu.memory_space<vmem>>) target(%dma_start3A_237 : memref<40x128xf32, #tpu.memory_space<hbm>>) target_semaphore(%run_scoped3A : memref<!tpu.dma_semaphore, #tpu.memory_space<semaphore_mem>>)
        %dma_wait3A = arith.constant 0 : i32
        %dma_wait3A_238 = tpu.memref_slice %arg6[%add3A_234, %dma_wait3A] : memref<20000x128xf32, #tpu.memory_space<hbm>> -> memref<40x128xf32, #tpu.memory_space<hbm>>
        %dma_wait3A_239 = arith.constant 0 : i32
        %dma_wait3A_240 = tpu.memref_slice %arg6[%add3A_234, %dma_wait3A_239] : memref<20000x128xf32, #tpu.memory_space<hbm>> -> memref<40x128xf32, #tpu.memory_space<hbm>>
        tpu.wait_dma2 semaphore(%run_scoped3A : memref<!tpu.dma_semaphore, #tpu.memory_space<semaphore_mem>>) src(%arg10 : memref<40x128xf32, #tpu.memory_space<vmem>>) dst(%dma_wait3A_240 : memref<40x128xf32, #tpu.memory_space<hbm>>)
        tpu.yield
      }) : () -> ()
    } else {
    }
    %add3A_158 = arith.constant 96 : i32
    %add3A_159 = arith.addi %arg1, %add3A_158 : i32
    %lt3A_160 = arith.constant 250 : i32
    %lt3A_161 = arith.cmpi slt, %add3A_159, %lt3A_160 : i32
    %convert_element_type3A_162 = arith.extui %lt3A_161 : i1 to i32
    %cond3A_163 = arith.constant 0 : i32
    %cond3A_164 = arith.cmpi ne, %convert_element_type3A_162, %cond3A_163 : i32
    scf.if %cond3A_164 {
      %mul3A_228 = arith.constant 40 : i32
      %mul3A_229 = arith.muli %add3A_159, %mul3A_228 : i32
      "tpu.region"() ({
        %run_scoped3A = tpu.sem_alloc : memref<!tpu.dma_semaphore, #tpu.memory_space<semaphore_mem>>
        %dma_start3A = arith.constant 0 : i32
        %dma_start3A_235 = tpu.memref_slice %arg11[%mul3A_229, %dma_start3A] : memref<10000x128xf32, #tpu.memory_space<vmem_shared>> -> memref<40x128xf32, #tpu.memory_space<vmem_shared>>
        %dma_start3A_236 = arith.constant 0 : i32
        %dma_start3A_237 = tpu.memref_slice %arg11[%mul3A_229, %dma_start3A_236] : memref<10000x128xf32, #tpu.memory_space<vmem_shared>> -> memref<40x128xf32, #tpu.memory_space<vmem_shared>>
        tpu.enqueue_dma source(%dma_start3A_237 : memref<40x128xf32, #tpu.memory_space<vmem_shared>>) target(%arg10 : memref<40x128xf32, #tpu.memory_space<vmem>>) target_semaphore(%run_scoped3A : memref<!tpu.dma_semaphore, #tpu.memory_space<semaphore_mem>>)
        %dma_wait3A = arith.constant 0 : i32
        %dma_wait3A_238 = tpu.memref_slice %arg11[%mul3A_229, %dma_wait3A] : memref<10000x128xf32, #tpu.memory_space<vmem_shared>> -> memref<40x128xf32, #tpu.memory_space<vmem_shared>>
        %dma_wait3A_239 = arith.constant 0 : i32
        %dma_wait3A_240 = tpu.memref_slice %arg11[%mul3A_229, %dma_wait3A_239] : memref<10000x128xf32, #tpu.memory_space<vmem_shared>> -> memref<40x128xf32, #tpu.memory_space<vmem_shared>>
        tpu.wait_dma2 semaphore(%run_scoped3A : memref<!tpu.dma_semaphore, #tpu.memory_space<semaphore_mem>>) src(%dma_wait3A_240 : memref<40x128xf32, #tpu.memory_space<vmem_shared>>) dst(%arg10 : memref<40x128xf32, #tpu.memory_space<vmem>>)
        tpu.yield
      }) : () -> ()
      %mul3A_230 = arith.constant 10000 : i32
      %mul3A_231 = arith.muli %arg0, %mul3A_230 : i32
      %mul3A_232 = arith.constant 40 : i32
      %mul3A_233 = arith.muli %add3A_159, %mul3A_232 : i32
      %add3A_234 = arith.addi %mul3A_231, %mul3A_233 : i32
      "tpu.region"() ({
        %run_scoped3A = tpu.sem_alloc : memref<!tpu.dma_semaphore, #tpu.memory_space<semaphore_mem>>
        %dma_start3A = arith.constant 0 : i32
        %dma_start3A_235 = tpu.memref_slice %arg6[%add3A_234, %dma_start3A] : memref<20000x128xf32, #tpu.memory_space<hbm>> -> memref<40x128xf32, #tpu.memory_space<hbm>>
        %dma_start3A_236 = arith.constant 0 : i32
        %dma_start3A_237 = tpu.memref_slice %arg6[%add3A_234, %dma_start3A_236] : memref<20000x128xf32, #tpu.memory_space<hbm>> -> memref<40x128xf32, #tpu.memory_space<hbm>>
        tpu.enqueue_dma source(%arg10 : memref<40x128xf32, #tpu.memory_space<vmem>>) target(%dma_start3A_237 : memref<40x128xf32, #tpu.memory_space<hbm>>) target_semaphore(%run_scoped3A : memref<!tpu.dma_semaphore, #tpu.memory_space<semaphore_mem>>)
        %dma_wait3A = arith.constant 0 : i32
        %dma_wait3A_238 = tpu.memref_slice %arg6[%add3A_234, %dma_wait3A] : memref<20000x128xf32, #tpu.memory_space<hbm>> -> memref<40x128xf32, #tpu.memory_space<hbm>>
        %dma_wait3A_239 = arith.constant 0 : i32
        %dma_wait3A_240 = tpu.memref_slice %arg6[%add3A_234, %dma_wait3A_239] : memref<20000x128xf32, #tpu.memory_space<hbm>> -> memref<40x128xf32, #tpu.memory_space<hbm>>
        tpu.wait_dma2 semaphore(%run_scoped3A : memref<!tpu.dma_semaphore, #tpu.memory_space<semaphore_mem>>) src(%arg10 : memref<40x128xf32, #tpu.memory_space<vmem>>) dst(%dma_wait3A_240 : memref<40x128xf32, #tpu.memory_space<hbm>>)
        tpu.yield
      }) : () -> ()
    } else {
    }
    %add3A_165 = arith.constant 112 : i32
    %add3A_166 = arith.addi %arg1, %add3A_165 : i32
    %lt3A_167 = arith.constant 250 : i32
    %lt3A_168 = arith.cmpi slt, %add3A_166, %lt3A_167 : i32
    %convert_element_type3A_169 = arith.extui %lt3A_168 : i1 to i32
    %cond3A_170 = arith.constant 0 : i32
    %cond3A_171 = arith.cmpi ne, %convert_element_type3A_169, %cond3A_170 : i32
    scf.if %cond3A_171 {
      %mul3A_228 = arith.constant 40 : i32
      %mul3A_229 = arith.muli %add3A_166, %mul3A_228 : i32
      "tpu.region"() ({
        %run_scoped3A = tpu.sem_alloc : memref<!tpu.dma_semaphore, #tpu.memory_space<semaphore_mem>>
        %dma_start3A = arith.constant 0 : i32
        %dma_start3A_235 = tpu.memref_slice %arg11[%mul3A_229, %dma_start3A] : memref<10000x128xf32, #tpu.memory_space<vmem_shared>> -> memref<40x128xf32, #tpu.memory_space<vmem_shared>>
        %dma_start3A_236 = arith.constant 0 : i32
        %dma_start3A_237 = tpu.memref_slice %arg11[%mul3A_229, %dma_start3A_236] : memref<10000x128xf32, #tpu.memory_space<vmem_shared>> -> memref<40x128xf32, #tpu.memory_space<vmem_shared>>
        tpu.enqueue_dma source(%dma_start3A_237 : memref<40x128xf32, #tpu.memory_space<vmem_shared>>) target(%arg10 : memref<40x128xf32, #tpu.memory_space<vmem>>) target_semaphore(%run_scoped3A : memref<!tpu.dma_semaphore, #tpu.memory_space<semaphore_mem>>)
        %dma_wait3A = arith.constant 0 : i32
        %dma_wait3A_238 = tpu.memref_slice %arg11[%mul3A_229, %dma_wait3A] : memref<10000x128xf32, #tpu.memory_space<vmem_shared>> -> memref<40x128xf32, #tpu.memory_space<vmem_shared>>
        %dma_wait3A_239 = arith.constant 0 : i32
        %dma_wait3A_240 = tpu.memref_slice %arg11[%mul3A_229, %dma_wait3A_239] : memref<10000x128xf32, #tpu.memory_space<vmem_shared>> -> memref<40x128xf32, #tpu.memory_space<vmem_shared>>
        tpu.wait_dma2 semaphore(%run_scoped3A : memref<!tpu.dma_semaphore, #tpu.memory_space<semaphore_mem>>) src(%dma_wait3A_240 : memref<40x128xf32, #tpu.memory_space<vmem_shared>>) dst(%arg10 : memref<40x128xf32, #tpu.memory_space<vmem>>)
        tpu.yield
      }) : () -> ()
      %mul3A_230 = arith.constant 10000 : i32
      %mul3A_231 = arith.muli %arg0, %mul3A_230 : i32
      %mul3A_232 = arith.constant 40 : i32
      %mul3A_233 = arith.muli %add3A_166, %mul3A_232 : i32
      %add3A_234 = arith.addi %mul3A_231, %mul3A_233 : i32
      "tpu.region"() ({
        %run_scoped3A = tpu.sem_alloc : memref<!tpu.dma_semaphore, #tpu.memory_space<semaphore_mem>>
        %dma_start3A = arith.constant 0 : i32
        %dma_start3A_235 = tpu.memref_slice %arg6[%add3A_234, %dma_start3A] : memref<20000x128xf32, #tpu.memory_space<hbm>> -> memref<40x128xf32, #tpu.memory_space<hbm>>
        %dma_start3A_236 = arith.constant 0 : i32
        %dma_start3A_237 = tpu.memref_slice %arg6[%add3A_234, %dma_start3A_236] : memref<20000x128xf32, #tpu.memory_space<hbm>> -> memref<40x128xf32, #tpu.memory_space<hbm>>
        tpu.enqueue_dma source(%arg10 : memref<40x128xf32, #tpu.memory_space<vmem>>) target(%dma_start3A_237 : memref<40x128xf32, #tpu.memory_space<hbm>>) target_semaphore(%run_scoped3A : memref<!tpu.dma_semaphore, #tpu.memory_space<semaphore_mem>>)
        %dma_wait3A = arith.constant 0 : i32
        %dma_wait3A_238 = tpu.memref_slice %arg6[%add3A_234, %dma_wait3A] : memref<20000x128xf32, #tpu.memory_space<hbm>> -> memref<40x128xf32, #tpu.memory_space<hbm>>
        %dma_wait3A_239 = arith.constant 0 : i32
        %dma_wait3A_240 = tpu.memref_slice %arg6[%add3A_234, %dma_wait3A_239] : memref<20000x128xf32, #tpu.memory_space<hbm>> -> memref<40x128xf32, #tpu.memory_space<hbm>>
        tpu.wait_dma2 semaphore(%run_scoped3A : memref<!tpu.dma_semaphore, #tpu.memory_space<semaphore_mem>>) src(%arg10 : memref<40x128xf32, #tpu.memory_space<vmem>>) dst(%dma_wait3A_240 : memref<40x128xf32, #tpu.memory_space<hbm>>)
        tpu.yield
      }) : () -> ()
    } else {
    }
    %add3A_172 = arith.constant 128 : i32
    %add3A_173 = arith.addi %arg1, %add3A_172 : i32
    %lt3A_174 = arith.constant 250 : i32
    %lt3A_175 = arith.cmpi slt, %add3A_173, %lt3A_174 : i32
    %convert_element_type3A_176 = arith.extui %lt3A_175 : i1 to i32
    %cond3A_177 = arith.constant 0 : i32
    %cond3A_178 = arith.cmpi ne, %convert_element_type3A_176, %cond3A_177 : i32
    scf.if %cond3A_178 {
      %mul3A_228 = arith.constant 40 : i32
      %mul3A_229 = arith.muli %add3A_173, %mul3A_228 : i32
      "tpu.region"() ({
        %run_scoped3A = tpu.sem_alloc : memref<!tpu.dma_semaphore, #tpu.memory_space<semaphore_mem>>
        %dma_start3A = arith.constant 0 : i32
        %dma_start3A_235 = tpu.memref_slice %arg11[%mul3A_229, %dma_start3A] : memref<10000x128xf32, #tpu.memory_space<vmem_shared>> -> memref<40x128xf32, #tpu.memory_space<vmem_shared>>
        %dma_start3A_236 = arith.constant 0 : i32
        %dma_start3A_237 = tpu.memref_slice %arg11[%mul3A_229, %dma_start3A_236] : memref<10000x128xf32, #tpu.memory_space<vmem_shared>> -> memref<40x128xf32, #tpu.memory_space<vmem_shared>>
        tpu.enqueue_dma source(%dma_start3A_237 : memref<40x128xf32, #tpu.memory_space<vmem_shared>>) target(%arg10 : memref<40x128xf32, #tpu.memory_space<vmem>>) target_semaphore(%run_scoped3A : memref<!tpu.dma_semaphore, #tpu.memory_space<semaphore_mem>>)
        %dma_wait3A = arith.constant 0 : i32
        %dma_wait3A_238 = tpu.memref_slice %arg11[%mul3A_229, %dma_wait3A] : memref<10000x128xf32, #tpu.memory_space<vmem_shared>> -> memref<40x128xf32, #tpu.memory_space<vmem_shared>>
        %dma_wait3A_239 = arith.constant 0 : i32
        %dma_wait3A_240 = tpu.memref_slice %arg11[%mul3A_229, %dma_wait3A_239] : memref<10000x128xf32, #tpu.memory_space<vmem_shared>> -> memref<40x128xf32, #tpu.memory_space<vmem_shared>>
        tpu.wait_dma2 semaphore(%run_scoped3A : memref<!tpu.dma_semaphore, #tpu.memory_space<semaphore_mem>>) src(%dma_wait3A_240 : memref<40x128xf32, #tpu.memory_space<vmem_shared>>) dst(%arg10 : memref<40x128xf32, #tpu.memory_space<vmem>>)
        tpu.yield
      }) : () -> ()
      %mul3A_230 = arith.constant 10000 : i32
      %mul3A_231 = arith.muli %arg0, %mul3A_230 : i32
      %mul3A_232 = arith.constant 40 : i32
      %mul3A_233 = arith.muli %add3A_173, %mul3A_232 : i32
      %add3A_234 = arith.addi %mul3A_231, %mul3A_233 : i32
      "tpu.region"() ({
        %run_scoped3A = tpu.sem_alloc : memref<!tpu.dma_semaphore, #tpu.memory_space<semaphore_mem>>
        %dma_start3A = arith.constant 0 : i32
        %dma_start3A_235 = tpu.memref_slice %arg6[%add3A_234, %dma_start3A] : memref<20000x128xf32, #tpu.memory_space<hbm>> -> memref<40x128xf32, #tpu.memory_space<hbm>>
        %dma_start3A_236 = arith.constant 0 : i32
        %dma_start3A_237 = tpu.memref_slice %arg6[%add3A_234, %dma_start3A_236] : memref<20000x128xf32, #tpu.memory_space<hbm>> -> memref<40x128xf32, #tpu.memory_space<hbm>>
        tpu.enqueue_dma source(%arg10 : memref<40x128xf32, #tpu.memory_space<vmem>>) target(%dma_start3A_237 : memref<40x128xf32, #tpu.memory_space<hbm>>) target_semaphore(%run_scoped3A : memref<!tpu.dma_semaphore, #tpu.memory_space<semaphore_mem>>)
        %dma_wait3A = arith.constant 0 : i32
        %dma_wait3A_238 = tpu.memref_slice %arg6[%add3A_234, %dma_wait3A] : memref<20000x128xf32, #tpu.memory_space<hbm>> -> memref<40x128xf32, #tpu.memory_space<hbm>>
        %dma_wait3A_239 = arith.constant 0 : i32
        %dma_wait3A_240 = tpu.memref_slice %arg6[%add3A_234, %dma_wait3A_239] : memref<20000x128xf32, #tpu.memory_space<hbm>> -> memref<40x128xf32, #tpu.memory_space<hbm>>
        tpu.wait_dma2 semaphore(%run_scoped3A : memref<!tpu.dma_semaphore, #tpu.memory_space<semaphore_mem>>) src(%arg10 : memref<40x128xf32, #tpu.memory_space<vmem>>) dst(%dma_wait3A_240 : memref<40x128xf32, #tpu.memory_space<hbm>>)
        tpu.yield
      }) : () -> ()
    } else {
    }
    %add3A_179 = arith.constant 144 : i32
    %add3A_180 = arith.addi %arg1, %add3A_179 : i32
    %lt3A_181 = arith.constant 250 : i32
    %lt3A_182 = arith.cmpi slt, %add3A_180, %lt3A_181 : i32
    %convert_element_type3A_183 = arith.extui %lt3A_182 : i1 to i32
    %cond3A_184 = arith.constant 0 : i32
    %cond3A_185 = arith.cmpi ne, %convert_element_type3A_183, %cond3A_184 : i32
    scf.if %cond3A_185 {
      %mul3A_228 = arith.constant 40 : i32
      %mul3A_229 = arith.muli %add3A_180, %mul3A_228 : i32
      "tpu.region"() ({
        %run_scoped3A = tpu.sem_alloc : memref<!tpu.dma_semaphore, #tpu.memory_space<semaphore_mem>>
        %dma_start3A = arith.constant 0 : i32
        %dma_start3A_235 = tpu.memref_slice %arg11[%mul3A_229, %dma_start3A] : memref<10000x128xf32, #tpu.memory_space<vmem_shared>> -> memref<40x128xf32, #tpu.memory_space<vmem_shared>>
        %dma_start3A_236 = arith.constant 0 : i32
        %dma_start3A_237 = tpu.memref_slice %arg11[%mul3A_229, %dma_start3A_236] : memref<10000x128xf32, #tpu.memory_space<vmem_shared>> -> memref<40x128xf32, #tpu.memory_space<vmem_shared>>
        tpu.enqueue_dma source(%dma_start3A_237 : memref<40x128xf32, #tpu.memory_space<vmem_shared>>) target(%arg10 : memref<40x128xf32, #tpu.memory_space<vmem>>) target_semaphore(%run_scoped3A : memref<!tpu.dma_semaphore, #tpu.memory_space<semaphore_mem>>)
        %dma_wait3A = arith.constant 0 : i32
        %dma_wait3A_238 = tpu.memref_slice %arg11[%mul3A_229, %dma_wait3A] : memref<10000x128xf32, #tpu.memory_space<vmem_shared>> -> memref<40x128xf32, #tpu.memory_space<vmem_shared>>
        %dma_wait3A_239 = arith.constant 0 : i32
        %dma_wait3A_240 = tpu.memref_slice %arg11[%mul3A_229, %dma_wait3A_239] : memref<10000x128xf32, #tpu.memory_space<vmem_shared>> -> memref<40x128xf32, #tpu.memory_space<vmem_shared>>
        tpu.wait_dma2 semaphore(%run_scoped3A : memref<!tpu.dma_semaphore, #tpu.memory_space<semaphore_mem>>) src(%dma_wait3A_240 : memref<40x128xf32, #tpu.memory_space<vmem_shared>>) dst(%arg10 : memref<40x128xf32, #tpu.memory_space<vmem>>)
        tpu.yield
      }) : () -> ()
      %mul3A_230 = arith.constant 10000 : i32
      %mul3A_231 = arith.muli %arg0, %mul3A_230 : i32
      %mul3A_232 = arith.constant 40 : i32
      %mul3A_233 = arith.muli %add3A_180, %mul3A_232 : i32
      %add3A_234 = arith.addi %mul3A_231, %mul3A_233 : i32
      "tpu.region"() ({
        %run_scoped3A = tpu.sem_alloc : memref<!tpu.dma_semaphore, #tpu.memory_space<semaphore_mem>>
        %dma_start3A = arith.constant 0 : i32
        %dma_start3A_235 = tpu.memref_slice %arg6[%add3A_234, %dma_start3A] : memref<20000x128xf32, #tpu.memory_space<hbm>> -> memref<40x128xf32, #tpu.memory_space<hbm>>
        %dma_start3A_236 = arith.constant 0 : i32
        %dma_start3A_237 = tpu.memref_slice %arg6[%add3A_234, %dma_start3A_236] : memref<20000x128xf32, #tpu.memory_space<hbm>> -> memref<40x128xf32, #tpu.memory_space<hbm>>
        tpu.enqueue_dma source(%arg10 : memref<40x128xf32, #tpu.memory_space<vmem>>) target(%dma_start3A_237 : memref<40x128xf32, #tpu.memory_space<hbm>>) target_semaphore(%run_scoped3A : memref<!tpu.dma_semaphore, #tpu.memory_space<semaphore_mem>>)
        %dma_wait3A = arith.constant 0 : i32
        %dma_wait3A_238 = tpu.memref_slice %arg6[%add3A_234, %dma_wait3A] : memref<20000x128xf32, #tpu.memory_space<hbm>> -> memref<40x128xf32, #tpu.memory_space<hbm>>
        %dma_wait3A_239 = arith.constant 0 : i32
        %dma_wait3A_240 = tpu.memref_slice %arg6[%add3A_234, %dma_wait3A_239] : memref<20000x128xf32, #tpu.memory_space<hbm>> -> memref<40x128xf32, #tpu.memory_space<hbm>>
        tpu.wait_dma2 semaphore(%run_scoped3A : memref<!tpu.dma_semaphore, #tpu.memory_space<semaphore_mem>>) src(%arg10 : memref<40x128xf32, #tpu.memory_space<vmem>>) dst(%dma_wait3A_240 : memref<40x128xf32, #tpu.memory_space<hbm>>)
        tpu.yield
      }) : () -> ()
    } else {
    }
    %add3A_186 = arith.constant 160 : i32
    %add3A_187 = arith.addi %arg1, %add3A_186 : i32
    %lt3A_188 = arith.constant 250 : i32
    %lt3A_189 = arith.cmpi slt, %add3A_187, %lt3A_188 : i32
    %convert_element_type3A_190 = arith.extui %lt3A_189 : i1 to i32
    %cond3A_191 = arith.constant 0 : i32
    %cond3A_192 = arith.cmpi ne, %convert_element_type3A_190, %cond3A_191 : i32
    scf.if %cond3A_192 {
      %mul3A_228 = arith.constant 40 : i32
      %mul3A_229 = arith.muli %add3A_187, %mul3A_228 : i32
      "tpu.region"() ({
        %run_scoped3A = tpu.sem_alloc : memref<!tpu.dma_semaphore, #tpu.memory_space<semaphore_mem>>
        %dma_start3A = arith.constant 0 : i32
        %dma_start3A_235 = tpu.memref_slice %arg11[%mul3A_229, %dma_start3A] : memref<10000x128xf32, #tpu.memory_space<vmem_shared>> -> memref<40x128xf32, #tpu.memory_space<vmem_shared>>
        %dma_start3A_236 = arith.constant 0 : i32
        %dma_start3A_237 = tpu.memref_slice %arg11[%mul3A_229, %dma_start3A_236] : memref<10000x128xf32, #tpu.memory_space<vmem_shared>> -> memref<40x128xf32, #tpu.memory_space<vmem_shared>>
        tpu.enqueue_dma source(%dma_start3A_237 : memref<40x128xf32, #tpu.memory_space<vmem_shared>>) target(%arg10 : memref<40x128xf32, #tpu.memory_space<vmem>>) target_semaphore(%run_scoped3A : memref<!tpu.dma_semaphore, #tpu.memory_space<semaphore_mem>>)
        %dma_wait3A = arith.constant 0 : i32
        %dma_wait3A_238 = tpu.memref_slice %arg11[%mul3A_229, %dma_wait3A] : memref<10000x128xf32, #tpu.memory_space<vmem_shared>> -> memref<40x128xf32, #tpu.memory_space<vmem_shared>>
        %dma_wait3A_239 = arith.constant 0 : i32
        %dma_wait3A_240 = tpu.memref_slice %arg11[%mul3A_229, %dma_wait3A_239] : memref<10000x128xf32, #tpu.memory_space<vmem_shared>> -> memref<40x128xf32, #tpu.memory_space<vmem_shared>>
        tpu.wait_dma2 semaphore(%run_scoped3A : memref<!tpu.dma_semaphore, #tpu.memory_space<semaphore_mem>>) src(%dma_wait3A_240 : memref<40x128xf32, #tpu.memory_space<vmem_shared>>) dst(%arg10 : memref<40x128xf32, #tpu.memory_space<vmem>>)
        tpu.yield
      }) : () -> ()
      %mul3A_230 = arith.constant 10000 : i32
      %mul3A_231 = arith.muli %arg0, %mul3A_230 : i32
      %mul3A_232 = arith.constant 40 : i32
      %mul3A_233 = arith.muli %add3A_187, %mul3A_232 : i32
      %add3A_234 = arith.addi %mul3A_231, %mul3A_233 : i32
      "tpu.region"() ({
        %run_scoped3A = tpu.sem_alloc : memref<!tpu.dma_semaphore, #tpu.memory_space<semaphore_mem>>
        %dma_start3A = arith.constant 0 : i32
        %dma_start3A_235 = tpu.memref_slice %arg6[%add3A_234, %dma_start3A] : memref<20000x128xf32, #tpu.memory_space<hbm>> -> memref<40x128xf32, #tpu.memory_space<hbm>>
        %dma_start3A_236 = arith.constant 0 : i32
        %dma_start3A_237 = tpu.memref_slice %arg6[%add3A_234, %dma_start3A_236] : memref<20000x128xf32, #tpu.memory_space<hbm>> -> memref<40x128xf32, #tpu.memory_space<hbm>>
        tpu.enqueue_dma source(%arg10 : memref<40x128xf32, #tpu.memory_space<vmem>>) target(%dma_start3A_237 : memref<40x128xf32, #tpu.memory_space<hbm>>) target_semaphore(%run_scoped3A : memref<!tpu.dma_semaphore, #tpu.memory_space<semaphore_mem>>)
        %dma_wait3A = arith.constant 0 : i32
        %dma_wait3A_238 = tpu.memref_slice %arg6[%add3A_234, %dma_wait3A] : memref<20000x128xf32, #tpu.memory_space<hbm>> -> memref<40x128xf32, #tpu.memory_space<hbm>>
        %dma_wait3A_239 = arith.constant 0 : i32
        %dma_wait3A_240 = tpu.memref_slice %arg6[%add3A_234, %dma_wait3A_239] : memref<20000x128xf32, #tpu.memory_space<hbm>> -> memref<40x128xf32, #tpu.memory_space<hbm>>
        tpu.wait_dma2 semaphore(%run_scoped3A : memref<!tpu.dma_semaphore, #tpu.memory_space<semaphore_mem>>) src(%arg10 : memref<40x128xf32, #tpu.memory_space<vmem>>) dst(%dma_wait3A_240 : memref<40x128xf32, #tpu.memory_space<hbm>>)
        tpu.yield
      }) : () -> ()
    } else {
    }
    %add3A_193 = arith.constant 176 : i32
    %add3A_194 = arith.addi %arg1, %add3A_193 : i32
    %lt3A_195 = arith.constant 250 : i32
    %lt3A_196 = arith.cmpi slt, %add3A_194, %lt3A_195 : i32
    %convert_element_type3A_197 = arith.extui %lt3A_196 : i1 to i32
    %cond3A_198 = arith.constant 0 : i32
    %cond3A_199 = arith.cmpi ne, %convert_element_type3A_197, %cond3A_198 : i32
    scf.if %cond3A_199 {
      %mul3A_228 = arith.constant 40 : i32
      %mul3A_229 = arith.muli %add3A_194, %mul3A_228 : i32
      "tpu.region"() ({
        %run_scoped3A = tpu.sem_alloc : memref<!tpu.dma_semaphore, #tpu.memory_space<semaphore_mem>>
        %dma_start3A = arith.constant 0 : i32
        %dma_start3A_235 = tpu.memref_slice %arg11[%mul3A_229, %dma_start3A] : memref<10000x128xf32, #tpu.memory_space<vmem_shared>> -> memref<40x128xf32, #tpu.memory_space<vmem_shared>>
        %dma_start3A_236 = arith.constant 0 : i32
        %dma_start3A_237 = tpu.memref_slice %arg11[%mul3A_229, %dma_start3A_236] : memref<10000x128xf32, #tpu.memory_space<vmem_shared>> -> memref<40x128xf32, #tpu.memory_space<vmem_shared>>
        tpu.enqueue_dma source(%dma_start3A_237 : memref<40x128xf32, #tpu.memory_space<vmem_shared>>) target(%arg10 : memref<40x128xf32, #tpu.memory_space<vmem>>) target_semaphore(%run_scoped3A : memref<!tpu.dma_semaphore, #tpu.memory_space<semaphore_mem>>)
        %dma_wait3A = arith.constant 0 : i32
        %dma_wait3A_238 = tpu.memref_slice %arg11[%mul3A_229, %dma_wait3A] : memref<10000x128xf32, #tpu.memory_space<vmem_shared>> -> memref<40x128xf32, #tpu.memory_space<vmem_shared>>
        %dma_wait3A_239 = arith.constant 0 : i32
        %dma_wait3A_240 = tpu.memref_slice %arg11[%mul3A_229, %dma_wait3A_239] : memref<10000x128xf32, #tpu.memory_space<vmem_shared>> -> memref<40x128xf32, #tpu.memory_space<vmem_shared>>
        tpu.wait_dma2 semaphore(%run_scoped3A : memref<!tpu.dma_semaphore, #tpu.memory_space<semaphore_mem>>) src(%dma_wait3A_240 : memref<40x128xf32, #tpu.memory_space<vmem_shared>>) dst(%arg10 : memref<40x128xf32, #tpu.memory_space<vmem>>)
        tpu.yield
      }) : () -> ()
      %mul3A_230 = arith.constant 10000 : i32
      %mul3A_231 = arith.muli %arg0, %mul3A_230 : i32
      %mul3A_232 = arith.constant 40 : i32
      %mul3A_233 = arith.muli %add3A_194, %mul3A_232 : i32
      %add3A_234 = arith.addi %mul3A_231, %mul3A_233 : i32
      "tpu.region"() ({
        %run_scoped3A = tpu.sem_alloc : memref<!tpu.dma_semaphore, #tpu.memory_space<semaphore_mem>>
        %dma_start3A = arith.constant 0 : i32
        %dma_start3A_235 = tpu.memref_slice %arg6[%add3A_234, %dma_start3A] : memref<20000x128xf32, #tpu.memory_space<hbm>> -> memref<40x128xf32, #tpu.memory_space<hbm>>
        %dma_start3A_236 = arith.constant 0 : i32
        %dma_start3A_237 = tpu.memref_slice %arg6[%add3A_234, %dma_start3A_236] : memref<20000x128xf32, #tpu.memory_space<hbm>> -> memref<40x128xf32, #tpu.memory_space<hbm>>
        tpu.enqueue_dma source(%arg10 : memref<40x128xf32, #tpu.memory_space<vmem>>) target(%dma_start3A_237 : memref<40x128xf32, #tpu.memory_space<hbm>>) target_semaphore(%run_scoped3A : memref<!tpu.dma_semaphore, #tpu.memory_space<semaphore_mem>>)
        %dma_wait3A = arith.constant 0 : i32
        %dma_wait3A_238 = tpu.memref_slice %arg6[%add3A_234, %dma_wait3A] : memref<20000x128xf32, #tpu.memory_space<hbm>> -> memref<40x128xf32, #tpu.memory_space<hbm>>
        %dma_wait3A_239 = arith.constant 0 : i32
        %dma_wait3A_240 = tpu.memref_slice %arg6[%add3A_234, %dma_wait3A_239] : memref<20000x128xf32, #tpu.memory_space<hbm>> -> memref<40x128xf32, #tpu.memory_space<hbm>>
        tpu.wait_dma2 semaphore(%run_scoped3A : memref<!tpu.dma_semaphore, #tpu.memory_space<semaphore_mem>>) src(%arg10 : memref<40x128xf32, #tpu.memory_space<vmem>>) dst(%dma_wait3A_240 : memref<40x128xf32, #tpu.memory_space<hbm>>)
        tpu.yield
      }) : () -> ()
    } else {
    }
    %add3A_200 = arith.constant 192 : i32
    %add3A_201 = arith.addi %arg1, %add3A_200 : i32
    %lt3A_202 = arith.constant 250 : i32
    %lt3A_203 = arith.cmpi slt, %add3A_201, %lt3A_202 : i32
    %convert_element_type3A_204 = arith.extui %lt3A_203 : i1 to i32
    %cond3A_205 = arith.constant 0 : i32
    %cond3A_206 = arith.cmpi ne, %convert_element_type3A_204, %cond3A_205 : i32
    scf.if %cond3A_206 {
      %mul3A_228 = arith.constant 40 : i32
      %mul3A_229 = arith.muli %add3A_201, %mul3A_228 : i32
      "tpu.region"() ({
        %run_scoped3A = tpu.sem_alloc : memref<!tpu.dma_semaphore, #tpu.memory_space<semaphore_mem>>
        %dma_start3A = arith.constant 0 : i32
        %dma_start3A_235 = tpu.memref_slice %arg11[%mul3A_229, %dma_start3A] : memref<10000x128xf32, #tpu.memory_space<vmem_shared>> -> memref<40x128xf32, #tpu.memory_space<vmem_shared>>
        %dma_start3A_236 = arith.constant 0 : i32
        %dma_start3A_237 = tpu.memref_slice %arg11[%mul3A_229, %dma_start3A_236] : memref<10000x128xf32, #tpu.memory_space<vmem_shared>> -> memref<40x128xf32, #tpu.memory_space<vmem_shared>>
        tpu.enqueue_dma source(%dma_start3A_237 : memref<40x128xf32, #tpu.memory_space<vmem_shared>>) target(%arg10 : memref<40x128xf32, #tpu.memory_space<vmem>>) target_semaphore(%run_scoped3A : memref<!tpu.dma_semaphore, #tpu.memory_space<semaphore_mem>>)
        %dma_wait3A = arith.constant 0 : i32
        %dma_wait3A_238 = tpu.memref_slice %arg11[%mul3A_229, %dma_wait3A] : memref<10000x128xf32, #tpu.memory_space<vmem_shared>> -> memref<40x128xf32, #tpu.memory_space<vmem_shared>>
        %dma_wait3A_239 = arith.constant 0 : i32
        %dma_wait3A_240 = tpu.memref_slice %arg11[%mul3A_229, %dma_wait3A_239] : memref<10000x128xf32, #tpu.memory_space<vmem_shared>> -> memref<40x128xf32, #tpu.memory_space<vmem_shared>>
        tpu.wait_dma2 semaphore(%run_scoped3A : memref<!tpu.dma_semaphore, #tpu.memory_space<semaphore_mem>>) src(%dma_wait3A_240 : memref<40x128xf32, #tpu.memory_space<vmem_shared>>) dst(%arg10 : memref<40x128xf32, #tpu.memory_space<vmem>>)
        tpu.yield
      }) : () -> ()
      %mul3A_230 = arith.constant 10000 : i32
      %mul3A_231 = arith.muli %arg0, %mul3A_230 : i32
      %mul3A_232 = arith.constant 40 : i32
      %mul3A_233 = arith.muli %add3A_201, %mul3A_232 : i32
      %add3A_234 = arith.addi %mul3A_231, %mul3A_233 : i32
      "tpu.region"() ({
        %run_scoped3A = tpu.sem_alloc : memref<!tpu.dma_semaphore, #tpu.memory_space<semaphore_mem>>
        %dma_start3A = arith.constant 0 : i32
        %dma_start3A_235 = tpu.memref_slice %arg6[%add3A_234, %dma_start3A] : memref<20000x128xf32, #tpu.memory_space<hbm>> -> memref<40x128xf32, #tpu.memory_space<hbm>>
        %dma_start3A_236 = arith.constant 0 : i32
        %dma_start3A_237 = tpu.memref_slice %arg6[%add3A_234, %dma_start3A_236] : memref<20000x128xf32, #tpu.memory_space<hbm>> -> memref<40x128xf32, #tpu.memory_space<hbm>>
        tpu.enqueue_dma source(%arg10 : memref<40x128xf32, #tpu.memory_space<vmem>>) target(%dma_start3A_237 : memref<40x128xf32, #tpu.memory_space<hbm>>) target_semaphore(%run_scoped3A : memref<!tpu.dma_semaphore, #tpu.memory_space<semaphore_mem>>)
        %dma_wait3A = arith.constant 0 : i32
        %dma_wait3A_238 = tpu.memref_slice %arg6[%add3A_234, %dma_wait3A] : memref<20000x128xf32, #tpu.memory_space<hbm>> -> memref<40x128xf32, #tpu.memory_space<hbm>>
        %dma_wait3A_239 = arith.constant 0 : i32
        %dma_wait3A_240 = tpu.memref_slice %arg6[%add3A_234, %dma_wait3A_239] : memref<20000x128xf32, #tpu.memory_space<hbm>> -> memref<40x128xf32, #tpu.memory_space<hbm>>
        tpu.wait_dma2 semaphore(%run_scoped3A : memref<!tpu.dma_semaphore, #tpu.memory_space<semaphore_mem>>) src(%arg10 : memref<40x128xf32, #tpu.memory_space<vmem>>) dst(%dma_wait3A_240 : memref<40x128xf32, #tpu.memory_space<hbm>>)
        tpu.yield
      }) : () -> ()
    } else {
    }
    %add3A_207 = arith.constant 208 : i32
    %add3A_208 = arith.addi %arg1, %add3A_207 : i32
    %lt3A_209 = arith.constant 250 : i32
    %lt3A_210 = arith.cmpi slt, %add3A_208, %lt3A_209 : i32
    %convert_element_type3A_211 = arith.extui %lt3A_210 : i1 to i32
    %cond3A_212 = arith.constant 0 : i32
    %cond3A_213 = arith.cmpi ne, %convert_element_type3A_211, %cond3A_212 : i32
    scf.if %cond3A_213 {
      %mul3A_228 = arith.constant 40 : i32
      %mul3A_229 = arith.muli %add3A_208, %mul3A_228 : i32
      "tpu.region"() ({
        %run_scoped3A = tpu.sem_alloc : memref<!tpu.dma_semaphore, #tpu.memory_space<semaphore_mem>>
        %dma_start3A = arith.constant 0 : i32
        %dma_start3A_235 = tpu.memref_slice %arg11[%mul3A_229, %dma_start3A] : memref<10000x128xf32, #tpu.memory_space<vmem_shared>> -> memref<40x128xf32, #tpu.memory_space<vmem_shared>>
        %dma_start3A_236 = arith.constant 0 : i32
        %dma_start3A_237 = tpu.memref_slice %arg11[%mul3A_229, %dma_start3A_236] : memref<10000x128xf32, #tpu.memory_space<vmem_shared>> -> memref<40x128xf32, #tpu.memory_space<vmem_shared>>
        tpu.enqueue_dma source(%dma_start3A_237 : memref<40x128xf32, #tpu.memory_space<vmem_shared>>) target(%arg10 : memref<40x128xf32, #tpu.memory_space<vmem>>) target_semaphore(%run_scoped3A : memref<!tpu.dma_semaphore, #tpu.memory_space<semaphore_mem>>)
        %dma_wait3A = arith.constant 0 : i32
        %dma_wait3A_238 = tpu.memref_slice %arg11[%mul3A_229, %dma_wait3A] : memref<10000x128xf32, #tpu.memory_space<vmem_shared>> -> memref<40x128xf32, #tpu.memory_space<vmem_shared>>
        %dma_wait3A_239 = arith.constant 0 : i32
        %dma_wait3A_240 = tpu.memref_slice %arg11[%mul3A_229, %dma_wait3A_239] : memref<10000x128xf32, #tpu.memory_space<vmem_shared>> -> memref<40x128xf32, #tpu.memory_space<vmem_shared>>
        tpu.wait_dma2 semaphore(%run_scoped3A : memref<!tpu.dma_semaphore, #tpu.memory_space<semaphore_mem>>) src(%dma_wait3A_240 : memref<40x128xf32, #tpu.memory_space<vmem_shared>>) dst(%arg10 : memref<40x128xf32, #tpu.memory_space<vmem>>)
        tpu.yield
      }) : () -> ()
      %mul3A_230 = arith.constant 10000 : i32
      %mul3A_231 = arith.muli %arg0, %mul3A_230 : i32
      %mul3A_232 = arith.constant 40 : i32
      %mul3A_233 = arith.muli %add3A_208, %mul3A_232 : i32
      %add3A_234 = arith.addi %mul3A_231, %mul3A_233 : i32
      "tpu.region"() ({
        %run_scoped3A = tpu.sem_alloc : memref<!tpu.dma_semaphore, #tpu.memory_space<semaphore_mem>>
        %dma_start3A = arith.constant 0 : i32
        %dma_start3A_235 = tpu.memref_slice %arg6[%add3A_234, %dma_start3A] : memref<20000x128xf32, #tpu.memory_space<hbm>> -> memref<40x128xf32, #tpu.memory_space<hbm>>
        %dma_start3A_236 = arith.constant 0 : i32
        %dma_start3A_237 = tpu.memref_slice %arg6[%add3A_234, %dma_start3A_236] : memref<20000x128xf32, #tpu.memory_space<hbm>> -> memref<40x128xf32, #tpu.memory_space<hbm>>
        tpu.enqueue_dma source(%arg10 : memref<40x128xf32, #tpu.memory_space<vmem>>) target(%dma_start3A_237 : memref<40x128xf32, #tpu.memory_space<hbm>>) target_semaphore(%run_scoped3A : memref<!tpu.dma_semaphore, #tpu.memory_space<semaphore_mem>>)
        %dma_wait3A = arith.constant 0 : i32
        %dma_wait3A_238 = tpu.memref_slice %arg6[%add3A_234, %dma_wait3A] : memref<20000x128xf32, #tpu.memory_space<hbm>> -> memref<40x128xf32, #tpu.memory_space<hbm>>
        %dma_wait3A_239 = arith.constant 0 : i32
        %dma_wait3A_240 = tpu.memref_slice %arg6[%add3A_234, %dma_wait3A_239] : memref<20000x128xf32, #tpu.memory_space<hbm>> -> memref<40x128xf32, #tpu.memory_space<hbm>>
        tpu.wait_dma2 semaphore(%run_scoped3A : memref<!tpu.dma_semaphore, #tpu.memory_space<semaphore_mem>>) src(%arg10 : memref<40x128xf32, #tpu.memory_space<vmem>>) dst(%dma_wait3A_240 : memref<40x128xf32, #tpu.memory_space<hbm>>)
        tpu.yield
      }) : () -> ()
    } else {
    }
    %add3A_214 = arith.constant 224 : i32
    %add3A_215 = arith.addi %arg1, %add3A_214 : i32
    %lt3A_216 = arith.constant 250 : i32
    %lt3A_217 = arith.cmpi slt, %add3A_215, %lt3A_216 : i32
    %convert_element_type3A_218 = arith.extui %lt3A_217 : i1 to i32
    %cond3A_219 = arith.constant 0 : i32
    %cond3A_220 = arith.cmpi ne, %convert_element_type3A_218, %cond3A_219 : i32
    scf.if %cond3A_220 {
      %mul3A_228 = arith.constant 40 : i32
      %mul3A_229 = arith.muli %add3A_215, %mul3A_228 : i32
      "tpu.region"() ({
        %run_scoped3A = tpu.sem_alloc : memref<!tpu.dma_semaphore, #tpu.memory_space<semaphore_mem>>
        %dma_start3A = arith.constant 0 : i32
        %dma_start3A_235 = tpu.memref_slice %arg11[%mul3A_229, %dma_start3A] : memref<10000x128xf32, #tpu.memory_space<vmem_shared>> -> memref<40x128xf32, #tpu.memory_space<vmem_shared>>
        %dma_start3A_236 = arith.constant 0 : i32
        %dma_start3A_237 = tpu.memref_slice %arg11[%mul3A_229, %dma_start3A_236] : memref<10000x128xf32, #tpu.memory_space<vmem_shared>> -> memref<40x128xf32, #tpu.memory_space<vmem_shared>>
        tpu.enqueue_dma source(%dma_start3A_237 : memref<40x128xf32, #tpu.memory_space<vmem_shared>>) target(%arg10 : memref<40x128xf32, #tpu.memory_space<vmem>>) target_semaphore(%run_scoped3A : memref<!tpu.dma_semaphore, #tpu.memory_space<semaphore_mem>>)
        %dma_wait3A = arith.constant 0 : i32
        %dma_wait3A_238 = tpu.memref_slice %arg11[%mul3A_229, %dma_wait3A] : memref<10000x128xf32, #tpu.memory_space<vmem_shared>> -> memref<40x128xf32, #tpu.memory_space<vmem_shared>>
        %dma_wait3A_239 = arith.constant 0 : i32
        %dma_wait3A_240 = tpu.memref_slice %arg11[%mul3A_229, %dma_wait3A_239] : memref<10000x128xf32, #tpu.memory_space<vmem_shared>> -> memref<40x128xf32, #tpu.memory_space<vmem_shared>>
        tpu.wait_dma2 semaphore(%run_scoped3A : memref<!tpu.dma_semaphore, #tpu.memory_space<semaphore_mem>>) src(%dma_wait3A_240 : memref<40x128xf32, #tpu.memory_space<vmem_shared>>) dst(%arg10 : memref<40x128xf32, #tpu.memory_space<vmem>>)
        tpu.yield
      }) : () -> ()
      %mul3A_230 = arith.constant 10000 : i32
      %mul3A_231 = arith.muli %arg0, %mul3A_230 : i32
      %mul3A_232 = arith.constant 40 : i32
      %mul3A_233 = arith.muli %add3A_215, %mul3A_232 : i32
      %add3A_234 = arith.addi %mul3A_231, %mul3A_233 : i32
      "tpu.region"() ({
        %run_scoped3A = tpu.sem_alloc : memref<!tpu.dma_semaphore, #tpu.memory_space<semaphore_mem>>
        %dma_start3A = arith.constant 0 : i32
        %dma_start3A_235 = tpu.memref_slice %arg6[%add3A_234, %dma_start3A] : memref<20000x128xf32, #tpu.memory_space<hbm>> -> memref<40x128xf32, #tpu.memory_space<hbm>>
        %dma_start3A_236 = arith.constant 0 : i32
        %dma_start3A_237 = tpu.memref_slice %arg6[%add3A_234, %dma_start3A_236] : memref<20000x128xf32, #tpu.memory_space<hbm>> -> memref<40x128xf32, #tpu.memory_space<hbm>>
        tpu.enqueue_dma source(%arg10 : memref<40x128xf32, #tpu.memory_space<vmem>>) target(%dma_start3A_237 : memref<40x128xf32, #tpu.memory_space<hbm>>) target_semaphore(%run_scoped3A : memref<!tpu.dma_semaphore, #tpu.memory_space<semaphore_mem>>)
        %dma_wait3A = arith.constant 0 : i32
        %dma_wait3A_238 = tpu.memref_slice %arg6[%add3A_234, %dma_wait3A] : memref<20000x128xf32, #tpu.memory_space<hbm>> -> memref<40x128xf32, #tpu.memory_space<hbm>>
        %dma_wait3A_239 = arith.constant 0 : i32
        %dma_wait3A_240 = tpu.memref_slice %arg6[%add3A_234, %dma_wait3A_239] : memref<20000x128xf32, #tpu.memory_space<hbm>> -> memref<40x128xf32, #tpu.memory_space<hbm>>
        tpu.wait_dma2 semaphore(%run_scoped3A : memref<!tpu.dma_semaphore, #tpu.memory_space<semaphore_mem>>) src(%arg10 : memref<40x128xf32, #tpu.memory_space<vmem>>) dst(%dma_wait3A_240 : memref<40x128xf32, #tpu.memory_space<hbm>>)
        tpu.yield
      }) : () -> ()
    } else {
    }
    %add3A_221 = arith.constant 240 : i32
    %add3A_222 = arith.addi %arg1, %add3A_221 : i32
    %lt3A_223 = arith.constant 250 : i32
    %lt3A_224 = arith.cmpi slt, %add3A_222, %lt3A_223 : i32
    %convert_element_type3A_225 = arith.extui %lt3A_224 : i1 to i32
    %cond3A_226 = arith.constant 0 : i32
    %cond3A_227 = arith.cmpi ne, %convert_element_type3A_225, %cond3A_226 : i32
    scf.if %cond3A_227 {
      %mul3A_228 = arith.constant 40 : i32
      %mul3A_229 = arith.muli %add3A_222, %mul3A_228 : i32
      "tpu.region"() ({
        %run_scoped3A = tpu.sem_alloc : memref<!tpu.dma_semaphore, #tpu.memory_space<semaphore_mem>>
        %dma_start3A = arith.constant 0 : i32
        %dma_start3A_235 = tpu.memref_slice %arg11[%mul3A_229, %dma_start3A] : memref<10000x128xf32, #tpu.memory_space<vmem_shared>> -> memref<40x128xf32, #tpu.memory_space<vmem_shared>>
        %dma_start3A_236 = arith.constant 0 : i32
        %dma_start3A_237 = tpu.memref_slice %arg11[%mul3A_229, %dma_start3A_236] : memref<10000x128xf32, #tpu.memory_space<vmem_shared>> -> memref<40x128xf32, #tpu.memory_space<vmem_shared>>
        tpu.enqueue_dma source(%dma_start3A_237 : memref<40x128xf32, #tpu.memory_space<vmem_shared>>) target(%arg10 : memref<40x128xf32, #tpu.memory_space<vmem>>) target_semaphore(%run_scoped3A : memref<!tpu.dma_semaphore, #tpu.memory_space<semaphore_mem>>)
        %dma_wait3A = arith.constant 0 : i32
        %dma_wait3A_238 = tpu.memref_slice %arg11[%mul3A_229, %dma_wait3A] : memref<10000x128xf32, #tpu.memory_space<vmem_shared>> -> memref<40x128xf32, #tpu.memory_space<vmem_shared>>
        %dma_wait3A_239 = arith.constant 0 : i32
        %dma_wait3A_240 = tpu.memref_slice %arg11[%mul3A_229, %dma_wait3A_239] : memref<10000x128xf32, #tpu.memory_space<vmem_shared>> -> memref<40x128xf32, #tpu.memory_space<vmem_shared>>
        tpu.wait_dma2 semaphore(%run_scoped3A : memref<!tpu.dma_semaphore, #tpu.memory_space<semaphore_mem>>) src(%dma_wait3A_240 : memref<40x128xf32, #tpu.memory_space<vmem_shared>>) dst(%arg10 : memref<40x128xf32, #tpu.memory_space<vmem>>)
        tpu.yield
      }) : () -> ()
      %mul3A_230 = arith.constant 10000 : i32
      %mul3A_231 = arith.muli %arg0, %mul3A_230 : i32
      %mul3A_232 = arith.constant 40 : i32
      %mul3A_233 = arith.muli %add3A_222, %mul3A_232 : i32
      %add3A_234 = arith.addi %mul3A_231, %mul3A_233 : i32
      "tpu.region"() ({
        %run_scoped3A = tpu.sem_alloc : memref<!tpu.dma_semaphore, #tpu.memory_space<semaphore_mem>>
        %dma_start3A = arith.constant 0 : i32
        %dma_start3A_235 = tpu.memref_slice %arg6[%add3A_234, %dma_start3A] : memref<20000x128xf32, #tpu.memory_space<hbm>> -> memref<40x128xf32, #tpu.memory_space<hbm>>
        %dma_start3A_236 = arith.constant 0 : i32
        %dma_start3A_237 = tpu.memref_slice %arg6[%add3A_234, %dma_start3A_236] : memref<20000x128xf32, #tpu.memory_space<hbm>> -> memref<40x128xf32, #tpu.memory_space<hbm>>
        tpu.enqueue_dma source(%arg10 : memref<40x128xf32, #tpu.memory_space<vmem>>) target(%dma_start3A_237 : memref<40x128xf32, #tpu.memory_space<hbm>>) target_semaphore(%run_scoped3A : memref<!tpu.dma_semaphore, #tpu.memory_space<semaphore_mem>>)
        %dma_wait3A = arith.constant 0 : i32
        %dma_wait3A_238 = tpu.memref_slice %arg6[%add3A_234, %dma_wait3A] : memref<20000x128xf32, #tpu.memory_space<hbm>> -> memref<40x128xf32, #tpu.memory_space<hbm>>
        %dma_wait3A_239 = arith.constant 0 : i32
        %dma_wait3A_240 = tpu.memref_slice %arg6[%add3A_234, %dma_wait3A_239] : memref<20000x128xf32, #tpu.memory_space<hbm>> -> memref<40x128xf32, #tpu.memory_space<hbm>>
        tpu.wait_dma2 semaphore(%run_scoped3A : memref<!tpu.dma_semaphore, #tpu.memory_space<semaphore_mem>>) src(%arg10 : memref<40x128xf32, #tpu.memory_space<vmem>>) dst(%dma_wait3A_240 : memref<40x128xf32, #tpu.memory_space<hbm>>)
        tpu.yield
      }) : () -> ()
    } else {
    }
    return
  }
}

module attributes {stable_mosaic.version = 14 : i64} {
  func.func @_mm_body(%arg0: i32, %arg1: i32, %arg2: memref<2000x256xf32, #tpu.memory_space<vmem>>, %arg3: memref<256x128xf32, #tpu.memory_space<vmem>>, %arg4: memref<1x2000x128xf32, #tpu.memory_space<vmem>>) attributes {dimension_semantics = [#tpu.dimension_semantics<arbitrary>, #tpu.dimension_semantics<arbitrary>], iteration_bounds = array<i64: 5, 2>, scalar_prefetch = 0 : i64, scratch_operands = 0 : i64, tpu.core_type = #tpu.core_type<tc>, window_params = [{transform_indices = @transform_0, window_bounds = array<i64: 2000, 256>}, {transform_indices = @transform_1, window_bounds = array<i64: 256, 128>}, {transform_indices = @transform_2, window_bounds = array<i64: 1, 2000, 128>}]} {
    %get3A = arith.constant 0 : index
    %get3A_0 = arith.constant 0 : index
    %get3A_1 = vector.load %arg2[%get3A, %get3A_0] : memref<2000x256xf32, #tpu.memory_space<vmem>>, vector<2000x256xf32>
    %get3A_2 = arith.constant 0 : index
    %get3A_3 = arith.constant 0 : index
    %get3A_4 = vector.load %arg3[%get3A_2, %get3A_3] : memref<256x128xf32, #tpu.memory_space<vmem>>, vector<256x128xf32>
    %dot_general3A = arith.constant dense<0.000000e+00> : vector<2000x128xf32>
    %dot_general3A_5 = tpu.matmul %get3A_1, %get3A_4, %dot_general3A {dimension_numbers = #tpu.dot_dimension_numbers<[1], [0], [0], [1], [0, 0, 1, 1], [], []>, precision = #tpu.contract_precision<fp32>, transpose_lhs_hint = false} : vector<2000x256xf32>, vector<256x128xf32>, vector<2000x128xf32> -> vector<2000x128xf32>
    %swap3A = arith.constant 0 : index
    %swap3A_6 = arith.constant 0 : index
    %swap3A_7 = arith.constant 0 : index
    %swap3A_8 = vector.load %arg4[%swap3A, %swap3A_6, %swap3A_7] : memref<1x2000x128xf32, #tpu.memory_space<vmem>>, vector<1x2000x128xf32>
    %swap3A_9 = vector.shape_cast %swap3A_8 : vector<1x2000x128xf32> to vector<2000x128xf32>
    %swap3A_10 = vector.shape_cast %dot_general3A_5 : vector<2000x128xf32> to vector<1x2000x128xf32>
    tpu.vector_store %arg4[%swap3A, %swap3A_6, %swap3A_7], %swap3A_10 {strides = array<i32>} : memref<1x2000x128xf32, #tpu.memory_space<vmem>>, vector<1x2000x128xf32>,
    return
  }
  func.func @transform_0(%arg0: i32, %arg1: i32) -> (i32, i32) {
    %c0_i32 = arith.constant 0 : i32
    %c0_i32_0 = arith.constant 0 : i32
    return %arg0, %c0_i32 : i32, i32
  }
  func.func @transform_1(%arg0: i32, %arg1: i32) -> (i32, i32) {
    %c0_i32 = arith.constant 0 : i32
    %c0_i32_0 = arith.constant 0 : i32
    return %c0_i32, %arg1 : i32, i32
  }
  func.func @transform_2(%arg0: i32, %arg1: i32) -> (i32, i32, i32) {
    %c0_i32 = arith.constant 0 : i32
    %c0_i32_0 = arith.constant 0 : i32
    return %arg1, %arg0, %c0_i32 : i32, i32, i32
  }
}

module attributes {stable_mosaic.version = 14 : i64} {
  func.func @_combine_body(%arg0: i32, %arg1: memref<2x2000x128xf32, #tpu.memory_space<vmem>>, %arg2: memref<2000x256xf32, #tpu.memory_space<vmem>>, %arg3: memref<1x256xf32, #tpu.memory_space<vmem>>, %arg4: memref<2000x256xf32, #tpu.memory_space<vmem>>) attributes {dimension_semantics = [#tpu.dimension_semantics<arbitrary>], iteration_bounds = array<i64: 5>, scalar_prefetch = 0 : i64, scratch_operands = 0 : i64, tpu.core_type = #tpu.core_type<tc>, window_params = [{transform_indices = @transform_0, window_bounds = array<i64: 2, 2000, 128>}, {transform_indices = @transform_1, window_bounds = array<i64: 2000, 256>}, {pipeline_mode = #tpu.pipeline_mode<synchronous>, transform_indices = @transform_2, window_bounds = array<i64: 1, 256>}, {transform_indices = @transform_3, window_bounds = array<i64: 2000, 256>}]} {
    %get3A = arith.constant 0 : index
    %get3A_0 = arith.constant 0 : index
    %get3A_1 = arith.constant 0 : index
    %get3A_2 = vector.load %arg1[%get3A, %get3A_0, %get3A_1] : memref<2x2000x128xf32, #tpu.memory_space<vmem>>, vector<1x2000x128xf32>
    %get3A_3 = vector.shape_cast %get3A_2 : vector<1x2000x128xf32> to vector<2000x128xf32>
    %get3A_4 = arith.constant 1 : index
    %get3A_5 = arith.constant 0 : index
    %get3A_6 = arith.constant 0 : index
    %get3A_7 = vector.load %arg1[%get3A_4, %get3A_5, %get3A_6] : memref<2x2000x128xf32, #tpu.memory_space<vmem>>, vector<1x2000x128xf32>
    %get3A_8 = vector.shape_cast %get3A_7 : vector<1x2000x128xf32> to vector<2000x128xf32>
    %concatenate3A = tpu.concatenate %get3A_3, %get3A_8 in 1 : vector<2000x128xf32>, vector<2000x128xf32> -> vector<2000x256xf32>
    %get3A_9 = arith.constant 0 : index
    %get3A_10 = arith.constant 0 : index
    %get3A_11 = vector.load %arg2[%get3A_9, %get3A_10] : memref<2000x256xf32, #tpu.memory_space<vmem>>, vector<2000x256xf32>
    %mul3A = arith.constant 5.000000e-02 : f32
    %mul3A_12 = vector.broadcast %mul3A : f32 to vector<2000x256xf32>
    %mul3A_13 = arith.mulf %mul3A_12, %get3A_11 : vector<2000x256xf32>
    %add3A = arith.addf %concatenate3A, %mul3A_13 : vector<2000x256xf32>
    %get3A_14 = arith.constant 0 : index
    %get3A_15 = arith.constant 0 : index
    %get3A_16 = vector.load %arg3[%get3A_14, %get3A_15] : memref<1x256xf32, #tpu.memory_space<vmem>>, vector<1x256xf32>
    %add3A_17 = vector.broadcast %get3A_16 : vector<1x256xf32> to vector<2000x256xf32>
    %add3A_18 = arith.addf %add3A, %add3A_17 : vector<2000x256xf32>
    %swap3A = arith.constant 0 : index
    %swap3A_19 = arith.constant 0 : index
    %swap3A_20 = vector.load %arg4[%swap3A, %swap3A_19] : memref<2000x256xf32, #tpu.memory_space<vmem>>, vector<2000x256xf32>
    tpu.vector_store %arg4[%swap3A, %swap3A_19], %add3A_18 {strides = array<i32>} : memref<2000x256xf32, #tpu.memory_space<vmem>>, vector<2000x256xf32>,
    return
  }
  func.func @transform_0(%arg0: i32) -> (i32, i32, i32) {
    %c0_i32 = arith.constant 0 : i32
    %c0_i32_0 = arith.constant 0 : i32
    %c0_i32_1 = arith.constant 0 : i32
    return %c0_i32, %arg0, %c0_i32_0 : i32, i32, i32
  }
  func.func @transform_1(%arg0: i32) -> (i32, i32) {
    %c0_i32 = arith.constant 0 : i32
    %c0_i32_0 = arith.constant 0 : i32
    return %arg0, %c0_i32 : i32, i32
  }
  func.func @transform_2(%arg0: i32) -> (i32, i32) {
    %c0_i32 = arith.constant 0 : i32
    %c0_i32_0 = arith.constant 0 : i32
    %c0_i32_1 = arith.constant 0 : i32
    return %c0_i32, %c0_i32_0 : i32, i32
  }
  func.func @transform_3(%arg0: i32) -> (i32, i32) {
    %c0_i32 = arith.constant 0 : i32
    %c0_i32_0 = arith.constant 0 : i32
    return %arg0, %c0_i32 : i32, i32
  }
}

</mosaic_0001>

<sc_bundles>
// kernel: kernel.5.cloned.1.call-start
scs
__scs_entry_jumppad:
0x0: {  	(pc) =	sbr.rel $0x88, $3  }
0x1: {  	(tag) =	ssettag $0x0;
	lr =	simm.s32 $0x1  }
0x2: {  	[smem:$0x3F9C] =	sst lr;
	_ =	strace $0xD0000000  }
0x3: {  	_ = 	snop  }
0x4: {  	_ = 	snop  }
0x5: {  	_ = 	snop  }
0x6: {  	_ = 	snop  }
0x7: {  	_ = 	snop  }
__scs_overlays_trampoline_lowered:
0x8: {  	[smem:$0x3FAB] =	sst s0  }
0x9: {  	[smem:$0x3FAC] =	sst s1  }
0xa: {  	[smem:$0x3FAD] =	sst s2  }
0xb: {  	[smem:$0x3FAE] =	sst s3  }
0xc: {  	[smem:$0x3FAF] =	sst s4  }
0xd: {  	[smem:$0x3FB0] =	sst s5  }
0xe: {  	[smem:$0x3FB1] =	sst s6  }
0xf: {  	[smem:$0x3FB2] =	sst s7  }
0x10: {  	[smem:$0x3FB3] =	sst s8  }
0x11: {  	[smem:$0x3FB4] =	sst s9;
	s0 =	simm.s32 @!p0 $0x0  }
0x12: {  	s1 =	sld [smem:$0x3F9A];
	s0 =	simm.s32 @p0 $0x1  }
0x13: {  	[smem:$0x3FB5] =	sst s0;
	s0 =	simm.s32 @!p1 $0x0  }
0x14: {  	s2 =	sld [smem:$0x3F99];
	s0 =	simm.s32 @p1 $0x1  }
0x15: {  	[smem:$0x3FB6] =	sst s0;
	s0 =	simm.s32 @!p2 $0x0  }
0x16: {  	s3 =	sld [smem:$0x3FDB];
	s0 =	simm.s32 @p2 $0x1  }
0x17: {  	s4 =	simm.s32 $0x1BF5;
	[smem:$0x3FB8] =	sst s0  }
0x18: {  	s0 =	sld [smem:$0x3F9B];
	_ =	swait.ge [sflag:s4], $0x0  }
0x19: {  	s7 =	sld [smem:$0x3F9C]  }
0x1a: {  	s8 =	sadd.s32 $0xFFFFE003, lr  }
0x1b: {  	s9 =	sadd.s32 $0xFFFFFEF7, lr;
	s5 =	simm.s32 $0xFFFFFFFF;
	p2 =	slt.u32 s8, $0xFFFFF086  }
0x1c: {  	p1 =	slt.u32 s9, $0xF7A;
	s5 =	simm.s32 @!p2 $0x0  }
0x1d: {  	s5 =	simm.s32 @p1 $0x1;
	p0 =	seq.s32 s7, s2  }
0x1e: {  	s7 =	smul.u32 @!p0 $0xF7A, s2;
	p2 =	seq.s32 @!p0 s5, $0x0  }
0x1f: {  	s9 =	smul.u32 $0xF7A, s1;
	s8 =	simm.s32 @!p0 $0x1BF5;
	p2 =	por !p2, p0  }
0x20: {  	[sflag:s8] =	ssyncset.s32 @!p0 $0xFFFFF086;
	s6 =	sadd.s32 @!p0 s3, s7;
	s7 =	simm.s32 @!p0 $0x108  }
0x21: {  	s3 =	sadd.s32 s3, s9;
	s6 =	sadd.s32 @!p0 $0x88, s6;
	s7 =	simm.s32 @p2 $0x1082  }
0x22: {  	[simem:s7], [sflag:s8] =	dma.local @!p0 [hbm:s6], $0xF7A  }
0x23: {  	s9 =	sor.u32 $0xD0000000, s2;
	s6 =	simm.s32 $0x108;
	_ =	swait.ge @!p0 [sflag:s8], $0x0  }
0x24: {  	s3 =	sadd.s32 $0x88, s3;
	s6 =	simm.s32 @!p1 $0x1082;
	[sflag:s4] =	ssyncset.s32 $0xFFFFF086  }
0x25: {  	[simem:s6], [sflag:s4] =	dma.local [hbm:s3], $0xF7A  }
0x26: {  	[smem:$0x3F9C] =	sst s1;
	(tag) =	ssettag s2;
	_ =	strace s9  }
0x27: {  	s1 =	sld [smem:$0x3FAC]  }
0x28: {  	s2 =	sld [smem:$0x3FAD]  }
0x29: {  	s4 =	sld [smem:$0x3FAF]  }
0x2a: {  	p0 =	seq.s32 s5, $0x0;
	s5 =	sld [smem:$0x3FB0]  }
0x2b: {  	s6 =	sld [smem:$0x3FB1]  }
0x2c: {  	s7 =	sld [smem:$0x3FB2]  }
0x2d: {  	s3 =	simm.s32 $0x108;
	s8 =	sld [smem:$0x3FB3]  }
0x2e: {  	s3 =	simm.s32 @!p0 $0x1082;
	s9 =	sld [smem:$0x3FB4]  }
0x2f: {  	lr =	sadd.s32 s0, s3;
	s0 =	sld [smem:$0x3FAB]  }
0x30: {  	s3 =	sld [smem:$0x3FAE]  }
0x31: {  	[smem:$0x3FB7] =	sst s10  }
0x32: {  	s10 =	sld [smem:$0x3FB5];
	_ =	sdelay $0x3  }
0x33: {  	p0 =	seq.s32 s10, $0x1;
	s10 =	sld [smem:$0x3FB7];
	_ =	sdelay $0x3  }
0x34: {  	[smem:$0x3FB7] =	sst s10  }
0x35: {  	s10 =	sld [smem:$0x3FB6];
	_ =	sdelay $0x3  }
0x36: {  	p1 =	seq.s32 s10, $0x1;
	s10 =	sld [smem:$0x3FB7];
	_ =	sdelay $0x3  }
0x37: {  	[smem:$0x3FB7] =	sst s10  }
0x38: {  	s10 =	sld [smem:$0x3FB8]  }
0x39: {  	_ = 	snop;
	(pc) =	sbr.ind lr, $3  }
0x3a: {  	_ = 	snop  }
0x3b: {  	_ = 	snop  }
0x3c: {  	p2 =	seq.s32 s10, $0x1;
	s10 =	sld [smem:$0x3FB7]  }
0x3d: {  	_ =	shalt  }
0x3e: {  	_ =	shalt  }
0x3f: {  	_ =	shalt  }
0x40: {  	_ =	shalt  }
0x41: {  	_ =	shalt  }
0x42: {  	_ =	shalt  }
0x43: {  	_ =	shalt  }
0x44: {  	_ =	shalt  }
0x45: {  	_ =	shalt  }
0x46: {  	_ =	shalt  }
0x47: {  	_ =	shalt  }
0x48: {  	_ =	shalt  }
0x49: {  	_ =	shalt  }
0x4a: {  	_ =	shalt  }
0x4b: {  	_ =	shalt  }
0x4c: {  	_ =	shalt  }
0x4d: {  	_ =	shalt  }
0x4e: {  	_ =	shalt  }
0x4f: {  	_ =	shalt  }
0x50: {  	_ =	shalt  }
0x51: {  	_ =	shalt  }
0x52: {  	_ =	shalt  }
0x53: {  	_ =	shalt  }
0x54: {  	_ =	shalt  }
0x55: {  	_ =	shalt  }
0x56: {  	_ =	shalt  }
0x57: {  	_ =	shalt  }
0x58: {  	_ =	shalt  }
0x59: {  	_ =	shalt  }
0x5a: {  	_ =	shalt  }
0x5b: {  	_ =	shalt  }
0x5c: {  	_ =	shalt  }
0x5d: {  	_ =	shalt  }
0x5e: {  	_ =	shalt  }
0x5f: {  	_ =	shalt  }
0x60: {  	_ =	shalt  }
0x61: {  	_ =	shalt  }
0x62: {  	_ =	shalt  }
0x63: {  	_ =	shalt  }
0x64: {  	_ =	shalt  }
0x65: {  	_ =	shalt  }
0x66: {  	_ =	shalt  }
0x67: {  	_ =	shalt  }
0x68: {  	_ =	shalt  }
0x69: {  	_ =	shalt  }
0x6a: {  	_ =	shalt  }
0x6b: {  	_ =	shalt  }
0x6c: {  	_ =	shalt  }
0x6d: {  	_ =	shalt  }
0x6e: {  	_ =	shalt  }
0x6f: {  	_ =	shalt  }
0x70: {  	_ =	shalt  }
0x71: {  	_ =	shalt  }
0x72: {  	_ =	shalt  }
0x73: {  	_ =	shalt  }
0x74: {  	_ =	shalt  }
0x75: {  	_ =	shalt  }
0x76: {  	_ =	shalt  }
0x77: {  	_ =	shalt  }
0x78: {  	_ =	shalt  }
0x79: {  	_ =	shalt  }
0x7a: {  	_ =	shalt  }
0x7b: {  	_ =	shalt  }
0x7c: {  	_ =	shalt  }
0x7d: {  	_ =	shalt  }
0x7e: {  	_ =	shalt  }
0x7f: {  	_ =	shalt  }
0x80: {  	_ =	shalt  }
0x81: {  	_ =	shalt  }
0x82: {  	_ =	shalt  }
0x83: {  	_ =	shalt  }
0x84: {  	_ =	shalt  }
0x85: {  	_ =	shalt  }
0x86: {  	_ =	shalt  }
0x87: {  	_ =	shalt  }
.Lfunc_end0:
.L_simem_size_0:
called_computation_lowered:
.L_overlay_start_0:
0x88: {  	s2 =	sld [smem:$0x3FD9]  }
0x89: {  	s3 =	sld [smem:$0x3FFE];
	_ =	sdelay $0x1  }
0x8a: {  	s1 =	srdreg.scid  }
0x8b: {  	s0 =	sand.u32 $0x1, s1  }
0x8c: {  	s17 =	sshll.u32 s0, $0xA;
	s2 =	sadd.s32 s3, s2  }
0x8d: {  	s2 =	sadd.s32 s2, s17  }
0x8e: {  	[smem:$0x3FC3] =	sst s2  }
0x8f: {  	_ = 	snop  }
0x90: {  	s2 =	sld [smem:$0x3FD0];
	(tm) =	ssettm $0x1  }
0x91: {  	s18 =	sld [smem:$0x3FFB];
	_ =	sdelay $0x3  }
0x92: {  	_ =	strace s18  }
0x93: {  	s3 =	sld [smem:$0x3FFC];
	_ =	sdelay $0x3  }
0x94: {  	_ =	strace s3  }
0x95: {  	s3 =	sld [smem:$0x3FFD];
	_ =	sdelay $0x3  }
0x96: {  	_ =	strace s3  }
0x97: {  	_ =	strace $0x8FFFFFFF  }
0x98: {  	s19 =	sld [smem:$0x3FDB];
	_ =	sdelay $0x1  }
0x99: {  	s4 =	simm.s32 $_scs_section_size  }
0x9a: {  	s5 =	simm.s32 $_size__tile_overlayer_lowered;
	s6 =	simm.s32 $_tile_overlayer_lowered  }
0x9b: {  	s22 =	simm.s32 $0x1BFF;
	s21 =	sshll.u32 s6, $0x1;
	s3 =	sadd.s32 s4, s19  }
0x9c: {  	s7 =	simm.s32 $0x0;
	s20 =	sshll.u32 s5, $0x1;
	s5 =	sadd.s32 s21, s3  }
0x9d: {  	[timem:s7], [sflag:s22] =	dma.local [hbm:s5], s20  }
0x9e: {  	_ =	swait.ge [sflag:s22], s20  }
0x9f: {  	s4 =	ssub.s32 $0x0, s20;
	[sflag:s22] =	ssyncset.done $0x0  }
0xa0: {  	[sflag:s22] =	ssyncadd.s32 s4;
	_ =	sdelay $0x1  }
0xa1: {  	s23 =	simm.s32 $0x1B8B  }
0xa2: {  	_ =	swait.ge [sflag:s23], $0x1  }
0xa3: {  	[sflag:s23] =	ssyncset.done $0x0  }
0xa4: {  	s25 =	simm.s32 $0x1B8E;
	s24 =	sld [smem:$0x3FFE];
	[sflag:s23] =	ssyncadd.s32 $0xFFFFFFFF  }
0xa5: {  	s26 =	simm.s32 $execute0_lowered;
	[smem:$0x3FD2] =	sst s25  }
0xa6: {  	s5 =	sshll.u32 s26, $0x1;
	_ =	strace $0x80000046;
	[dreg:$0x1] =	wrdreg $0xFFFFFFFF  }
0xa7: {  	s28 =	simm.s32 $_size_execute0_lowered;
	s3 =	sadd.s32 s3, s5;
	[dreg:$0x0] =	wrdreg $0x0  }
0xa8: {  	s5 =	sshll.u32 s28, $0x1;
	[dreg:$0x2] =	wrdreg s3  }
0xa9: {  	[dreg:$0x3] =	wrdreg s5  }
0xaa: {  	[dreg:$0x4] =	wrdreg $0xC0  }
0xab: {  	_ =	task [dreg:s7], $0x5FFFF  }
0xac: {  	[dreg:$0x1] =	wrdreg $0xFFFFFFFF  }
0xad: {  	[dreg:$0x0] =	wrdreg $0x60  }
0xae: {  	[dreg:$0x2] =	wrdreg s2  }
0xaf: {  	[dreg:$0x3] =	wrdreg s24  }
0xb0: {  	[dreg:$0x4] =	wrdreg $0xBC000  }
0xb1: {  	[dreg:$0x5] =	wrdreg $0x9  }
0xb2: {  	_ =	task.clear_ibuf [dreg:s7], $0x6FFFF;
	_ =	strace $0x90000046  }
0xb3: {  	s29 =	simm.s32 $0x9;
	_ =	strace $0x80000048  }
0xb4: {  	_ =	swait.ge [sflag:s29], $0x1  }
0xb5: {  	[sflag:s29] =	ssyncadd.s32 $0xFFFFFFFF  }
0xb6: {  	_ =	strace $0x90000048  }
0xb7: {  	_ =	sfence  }
0xb8: {  	s30 =	sld [smem:$0x0];
	_ =	sdelay $0x2  }
0xb9: {  	s31 =	sshll.u32 s1, $0xD;
	s1 =	sshrl.u32 s1, $0x2  }
0xba: {  	s3 =	sand.u32 $0x4000, s31;
	s1 =	sadd.s32 s1, s30  }
0xbb: {  	s0 =	sor.u32 s3, s0;
	s1 =	sshll.u32 s1, $0x11  }
0xbc: {  	s0 =	sor.u32 s1, s0  }
0xbd: {  	s0 =	sadd.s32 $0x8F2B, s0  }
0xbe: {  	[sflag:s0] =	ssyncadd.remote.s32 $0x1  }
0xbf: {  	_ =	sfence.sel $0xFFFF  }
0xc0: {  	[dreg:$0x0] =	wrdreg $0xFFFFFFFF;
	(pc) =	sbr.abs _section_cstart, $3  }
0xc1: {  	[dreg:$0x1] =	wrdreg $0xFFFFFFFF  }
0xc2: {  	_ =	task.clear_ibuf [dreg:s7], $0x2FFFF;
	_ =	strace $0x9FFFFFFF  }
0xc3: {  	(tm) =	ssettm $0x7FFFFFFF  }
tec
execute0_lowered:
.L_overlay_start_1:
0x0: {  	(tag) =	ssettag $0x1  }
0x1: {  	s0 =	srdreg.scid;
	s10 =	stileid.u32  }
0x2: {  	s7 =	sand.u32 $0x1, s0;
	s12 =	smul.u32 $0x28, s10  }
0x3: {  	s20 =	sor.u32 $0x10, s10;
	s1 =	smul.u32 $0x2710, s7  }
0x4: {  	s19 =	sor.u32 $0x20, s10;
	s13 =	smul.u32 $0x28, s20  }
0x5: {  	s8 =	sor.u32 $0x30, s10;
	s14 =	smul.u32 $0x28, s19  }
0x6: {  	s6 =	sor.u32 $0x40, s10;
	s15 =	smul.u32 $0x28, s8  }
0x7: {  	s11 =	sor.u32 $0x50, s10;
	s9 =	sor.u32 $0x60, s10;
	s16 =	smul.u32 $0x28, s6  }
0x8: {  	s5 =	sor.u32 $0x70, s10;
	s4 =	sor.u32 $0x80, s10;
	s17 =	smul.u32 $0x28, s11  }
0x9: {  	s3 =	sor.u32 $0x90, s10;
	[dreg:$0x1b] =	wrdreg s5;
	s18 =	smul.u32 $0x28, s9  }
0xa: {  	p0 =	sgt.u32 s10, $0x9;
	[dreg:$0x1a] =	wrdreg s4;
	s21 =	smul.u32 $0x28, s5  }
0xb: {  	s0 =	ssub.s32 $0x2, s7;
	[dreg:$0x19] =	wrdreg s3;
	s24 =	smul.u32 $0x28, s4  }
0xc: {  	s3 =	smul.u32 $0x28, s3;
	s7 =	sshll.u32 s7, $0xF;
	s2 =	sshrl.u32 s0, $0x1  }
0xd: {  	s9 =	smul.u32 $0x5000, s9;
	s0 =	ssub.s32 s0, s2;
	s2 =	sor.u32 $0xA0, s10  }
0xe: {  	s22 =	sadd.s32 s12, s1;
	s23 =	sadd.s32 s1, s13;
	s25 =	sadd.s32 s1, s14  }
0xf: {  	s26 =	sadd.s32 s1, s15;
	s16 =	sadd.s32 s1, s16;
	s17 =	sadd.s32 s1, s17  }
0x10: {  	s18 =	sadd.s32 s1, s18;
	s12 =	sor.u32 $0xC0, s10;
	s21 =	sadd.s32 s1, s21  }
0x11: {  	s13 =	sor.u32 $0xD0, s10;
	s24 =	sadd.s32 s1, s24;
	s28 =	smul.u32 $0x28, s2  }
0x12: {  	s14 =	sor.u32 $0xE0, s10;
	s3 =	sadd.s32 s1, s3;
	s30 =	smul.u32 $0x28, s12  }
0x13: {  	s15 =	sor.u32 $0xF0, s10;
	[dreg:$0x16] =	wrdreg s0;
	s31 =	smul.u32 $0x28, s13  }
0x14: {  	[dreg:$0x18] =	wrdreg s2;
	s0 =	sor.u32 $0xB0, s10;
	s4 =	smul.u32 $0x28, s14  }
0x15: {  	s5 =	smul.u32 $0x28, s15;
	s22 =	sshll.u32 s22, $0x4;
	s23 =	sshll.u32 s23, $0x4  }
0x16: {  	s25 =	sshll.u32 s25, $0x4;
	s26 =	sshll.u32 s26, $0x4;
	s16 =	sshll.u32 s16, $0x4  }
0x17: {  	s17 =	sshll.u32 s17, $0x4;
	[dreg:$0x17] =	wrdreg s0;
	s29 =	smul.u32 $0x28, s0  }
0x18: {  	s28 =	sadd.s32 s1, s28;
	s30 =	sadd.s32 s1, s30;
	s31 =	sadd.s32 s1, s31  }
0x19: {  	s2 =	sadd.s32 s1, s4;
	s4 =	sadd.s32 s1, s5;
	s5 =	rddreg [dreg:$0x1]  }
0x1a: {  	s29 =	sadd.s32 s1, s29;
	s1 =	simm.s32 $0x0;
	s0 =	sadd.s32 $0x19A00, s5  }
0x1b: {  	s3 =	sshll.u32 s3, $0x4;
	[smem:$0x7FF] =	sst s1;
	s22 =	sadd.s32 s0, s22  }
0x1c: {  	s12 =	smul.u32 $0x5000, s12;
	s25 =	sadd.s32 s0, s25;
	[dreg:$0x4] =	wrdreg s22  }
0x1d: {  	s13 =	smul.u32 $0x5000, s13;
	s16 =	sadd.s32 s0, s16;
	[dreg:$0x6] =	wrdreg s25  }
0x1e: {  	s2 =	sshll.u32 s2, $0x4;
	s3 =	sadd.s32 s0, s3;
	[dreg:$0x8] =	wrdreg s16  }
0x1f: {  	s14 =	smul.u32 $0x5000, s14;
	s2 =	sadd.s32 s0, s2;
	[dreg:$0xd] =	wrdreg s3  }
0x20: {  	s22 =	sadd.s32 s0, s23;
	s23 =	sshll.u32 s18, $0x4;
	[dreg:$0x12] =	wrdreg s2  }
0x21: {  	s25 =	sshll.u32 s21, $0x4;
	[dreg:$0x5] =	wrdreg s22;
	s22 =	sadd.s32 s0, s26  }
0x22: {  	s21 =	sshll.u32 s28, $0x4;
	s16 =	sadd.s32 s0, s23;
	[dreg:$0x7] =	wrdreg s22  }
0x23: {  	s26 =	sshll.u32 s24, $0x4;
	s3 =	sadd.s32 s0, s21;
	[dreg:$0xa] =	wrdreg s16  }
0x24: {  	s22 =	sadd.s32 s0, s17;
	s18 =	sadd.s32 s0, s26;
	[dreg:$0xe] =	wrdreg s3  }
0x25: {  	s26 =	sshll.u32 s4, $0x4;
	s4 =	smul.u32 $0x5000, s20;
	s20 =	rddreg [dreg:$0x2]  }
0x26: {  	s24 =	sshll.u32 s30, $0x4;
	s16 =	sadd.s32 s0, s25;
	[dreg:$0x9] =	wrdreg s22  }
0x27: {  	s3 =	sadd.s32 s0, s24;
	s25 =	sshll.u32 s31, $0x4;
	[dreg:$0xb] =	wrdreg s16  }
0x28: {  	s17 =	smul.u32 $0x5000, s10;
	[dreg:$0xc] =	wrdreg s18;
	s22 =	sshll.u32 s29, $0x4  }
0x29: {  	[dreg:$0x10] =	wrdreg s3;
	s3 =	sadd.s32 s0, s25;
	s16 =	smul.u32 $0x5000, s19  }
0x2a: {  	s18 =	rddreg [dreg:$0x0];
	s19 =	smul.u32 $0x5000, s8;
	s23 =	sadd.s32 s0, s22  }
0x2b: {  	[dreg:$0x11] =	wrdreg s3;
	s0 =	sadd.s32 s0, s26;
	s3 =	sshll.u32 s10, $0xB  }
0x2c: {  	s21 =	sshrl.u32 s17, $0x2;
	s22 =	smul.u32 $0x5000, s6;
	[dreg:$0xf] =	wrdreg s23  }
0x2d: {  	s6 =	sshrl.u32 s4, $0x2;
	s10 =	simm.s32 $0x2;
	[dreg:$0x13] =	wrdreg s0  }
0x2e: {  	s0 =	sadd.s32 s3, s5;
	s5 =	sadd.s32 $0x19600, s5;
	s24 =	sadd.s32 s21, s20  }
0x2f: {  	s25 =	sadd.s32 s6, s20;
	s8 =	sshrl.u32 s16, $0x2;
	s6 =	sshrl.u32 s9, $0x2  }
0x30: {  	_ =	strace $0x80000047;
	s3 =	sadd.s32 s7, s0;
	[dreg:$0x14] =	wrdreg s5  }
0x31: {  	s23 =	sadd.s32 $0x1600, s0;
	s7 =	smul.u32 $0x5000, s11;
	s26 =	sadd.s32 s8, s20  }
0x32: {  	s11 =	sshrl.u32 s19, $0x2;
	s17 =	sshrl.u32 s22, $0x2;
	s16 =	rddreg [dreg:$0x1b]  }
0x33: {  	s31 =	sadd.s32 s6, s20;
	s6 =	sshrl.u32 s13, $0x2;
	s19 =	rddreg [dreg:$0x1a]  }
0x34: {  	s13 =	simm.s32 $0x8000;
	s3 =	sadd.s32 $0x9600, s3;
	s22 =	rddreg [dreg:$0x19]  }
0x35: {  	s29 =	sadd.s32 s17, s20;
	s9 =	rddreg [dreg:$0x17];
	s17 =	smul.u32 $0x5000, s15  }
0x36: {  	s28 =	sadd.s32 s11, s20;
	[dreg:$0x15] =	wrdreg s3;
	s3 =	smul.u32 $0x5000, s16  }
0x37: {  	s6 =	sadd.s32 s6, s20;
	s15 =	simm.s32 $0x0;
	s5 =	smul.u32 $0x5000, s19  }
0x38: {  	s21 =	sshrl.u32 s7, $0x2;
	s2 =	smul.u32 $0x5000, s22;
	s7 =	rddreg [dreg:$0x18]  }
0x39: {  	s22 =	rddreg [dreg:$0x16];
	s30 =	sadd.s32 s21, s20;
	s4 =	smul.u32 $0x5000, s7  }
0x3a: {  	s7 =	sshrl.u32 s14, $0x2;
	s21 =	sshrl.u32 s17, $0x2;
	s14 =	simm.s32 $0x1  }
0x3b: {  	s8 =	sshrl.u32 s3, $0x2;
	s3 =	smul.u32 $0x5000, s9;
	s11 =	sshrl.u32 s5, $0x2  }
0x3c: {  	s2 =	sshrl.u32 s2, $0x2;
	s5 =	sshrl.u32 s12, $0x2;
	s7 =	sadd.s32 s7, s20  }
0x3d: {  	s9 =	smax.u32 s22, $0x1;
	s12 =	simm.s32 $0x50;
	s19 =	sadd.s32 s8, s20  }
0x3e: {  	s0 =	sadd.s32 s11, s20;
	s2 =	sadd.s32 s2, s20;
	s4 =	sshrl.u32 s4, $0x2  }
0x3f: {  	s5 =	sadd.s32 s5, s20;
	s8 =	sadd.s32 s21, s20;
	s16 =	sshrl.u32 s3, $0x2  }
0x40: {  	s11 =	simm.s32 $0xA800;
	s3 =	sadd.s32 s4, s20;
	s4 =	sadd.s32 s16, s20  }
.LBB2_1:
0x41: {  	s16 =	rddreg [dreg:$0x15]  }
0x42: {  	[tilespmem:s1], [sflag:$0x2] =	stream.linear.gather [hbm4b:s16+s1], $0x3E80, $0x38;
	[tilespmem:$0x1F480] =	vst v63  }
0x43: {  	_ =	swait.ge [sflag:s10], $0x3E80  }
0x44: {  	[sflag:s10] =	ssyncset.done $0x0  }
0x45: {  	s22 =	simm.s32 $0x4000;
	[sflag:s10] =	ssyncadd.s32 $0xFFFFC180  }
0x46: {  	[tilespmem:s22], [sflag:$0x2] =	stream.linear.gather [hbm4b:s23+s1], $0x3E80, $0x38;
	[tilespmem:$0x1F480] =	vst v63  }
0x47: {  	_ =	swait.ge [sflag:s10], $0x3E80  }
0x48: {  	[sflag:s10] =	ssyncset.done $0x0  }
0x49: {  	s17 =	rddreg [dreg:$0x14];
	[sflag:s10] =	ssyncadd.s32 $0xFFFFC180  }
0x4a: {  	[tilespmem:s11], [sflag:$0x2] =	stream.linear.gather [hbm4b:s17+s1], $0x1400, $0x38;
	[tilespmem:$0x1F480] =	vst v63  }
0x4b: {  	_ =	swait.ge [sflag:s10], $0x1400  }
0x4c: {  	[sflag:s10] =	ssyncset.done $0x0  }
0x4d: {  	[sflag:s10] =	ssyncadd.s32 $0xFFFFEC00  }
0x4e: {  	[spmem:s24] =	stream.linear.scatter [tilespmem:s11], [sflag:$0x2], $0x1400, $0x38;
	[tilespmem:$0x1F480] =	vst v63  }
0x4f: {  	_ =	swait.ge [sflag:s10], $0x1400  }
0x50: {  	[sflag:s10] =	ssyncset.done $0x0  }
0x51: {  	[sflag:s10] =	ssyncadd.s32 $0xFFFFEC00  }
0x52: {  	[spmem:s25] =	stream.linear.scatter [tilespmem:s11], [sflag:$0x2], $0x1400, $0x38;
	[tilespmem:$0x1F480] =	vst v63  }
0x53: {  	_ =	swait.ge [sflag:s10], $0x1400  }
0x54: {  	[sflag:s10] =	ssyncset.done $0x0  }
0x55: {  	[sflag:s10] =	ssyncadd.s32 $0xFFFFEC00  }
0x56: {  	[spmem:s26] =	stream.linear.scatter [tilespmem:s11], [sflag:$0x2], $0x1400, $0x38;
	[tilespmem:$0x1F480] =	vst v63  }
0x57: {  	_ =	swait.ge [sflag:s10], $0x1400  }
0x58: {  	[sflag:s10] =	ssyncset.done $0x0  }
0x59: {  	[sflag:s10] =	ssyncadd.s32 $0xFFFFEC00  }
0x5a: {  	[spmem:s28] =	stream.linear.scatter [tilespmem:s11], [sflag:$0x2], $0x1400, $0x38;
	[tilespmem:$0x1F480] =	vst v63  }
0x5b: {  	_ =	swait.ge [sflag:s10], $0x1400  }
0x5c: {  	[sflag:s10] =	ssyncset.done $0x0  }
0x5d: {  	[sflag:s10] =	ssyncadd.s32 $0xFFFFEC00  }
0x5e: {  	[spmem:s29] =	stream.linear.scatter [tilespmem:s11], [sflag:$0x2], $0x1400, $0x38;
	[tilespmem:$0x1F480] =	vst v63  }
0x5f: {  	_ =	swait.ge [sflag:s10], $0x1400  }
0x60: {  	[sflag:s10] =	ssyncset.done $0x0  }
0x61: {  	[sflag:s10] =	ssyncadd.s32 $0xFFFFEC00  }
0x62: {  	[spmem:s30] =	stream.linear.scatter [tilespmem:s11], [sflag:$0x2], $0x1400, $0x38;
	[tilespmem:$0x1F480] =	vst v63  }
0x63: {  	_ =	swait.ge [sflag:s10], $0x1400  }
0x64: {  	[sflag:s10] =	ssyncset.done $0x0  }
0x65: {  	[sflag:s10] =	ssyncadd.s32 $0xFFFFEC00  }
0x66: {  	[spmem:s31] =	stream.linear.scatter [tilespmem:s11], [sflag:$0x2], $0x1400, $0x38;
	[tilespmem:$0x1F480] =	vst v63  }
0x67: {  	_ =	swait.ge [sflag:s10], $0x1400  }
0x68: {  	[sflag:s10] =	ssyncset.done $0x0  }
0x69: {  	[sflag:s10] =	ssyncadd.s32 $0xFFFFEC00  }
0x6a: {  	[spmem:s19] =	stream.linear.scatter [tilespmem:s11], [sflag:$0x2], $0x1400, $0x38;
	[tilespmem:$0x1F480] =	vst v63  }
0x6b: {  	_ =	swait.ge [sflag:s10], $0x1400  }
0x6c: {  	[sflag:s10] =	ssyncset.done $0x0  }
0x6d: {  	[sflag:s10] =	ssyncadd.s32 $0xFFFFEC00  }
0x6e: {  	[spmem:s0] =	stream.linear.scatter [tilespmem:s11], [sflag:$0x2], $0x1400, $0x38;
	[tilespmem:$0x1F480] =	vst v63  }
0x6f: {  	_ =	swait.ge [sflag:s10], $0x1400  }
0x70: {  	[sflag:s10] =	ssyncset.done $0x0  }
0x71: {  	[sflag:s10] =	ssyncadd.s32 $0xFFFFEC00  }
0x72: {  	[spmem:s2] =	stream.linear.scatter [tilespmem:s11], [sflag:$0x2], $0x1400, $0x38;
	[tilespmem:$0x1F480] =	vst v63  }
0x73: {  	_ =	swait.ge [sflag:s10], $0x1400  }
0x74: {  	[sflag:s10] =	ssyncset.done $0x0  }
0x75: {  	[sflag:s10] =	ssyncadd.s32 $0xFFFFEC00  }
0x76: {  	[spmem:s3] =	stream.linear.scatter [tilespmem:s11], [sflag:$0x2], $0x1400, $0x38;
	[tilespmem:$0x1F480] =	vst v63  }
0x77: {  	_ =	swait.ge [sflag:s10], $0x1400  }
0x78: {  	[sflag:s10] =	ssyncset.done $0x0  }
0x79: {  	[sflag:s10] =	ssyncadd.s32 $0xFFFFEC00  }
0x7a: {  	[spmem:s4] =	stream.linear.scatter [tilespmem:s11], [sflag:$0x2], $0x1400, $0x38;
	[tilespmem:$0x1F480] =	vst v63  }
0x7b: {  	_ =	swait.ge [sflag:s10], $0x1400  }
0x7c: {  	[sflag:s10] =	ssyncset.done $0x0  }
0x7d: {  	[sflag:s10] =	ssyncadd.s32 $0xFFFFEC00  }
0x7e: {  	[spmem:s5] =	stream.linear.scatter [tilespmem:s11], [sflag:$0x2], $0x1400, $0x38;
	[tilespmem:$0x1F480] =	vst v63  }
0x7f: {  	_ =	swait.ge [sflag:s10], $0x1400  }
0x80: {  	[sflag:s10] =	ssyncset.done $0x0  }
0x81: {  	[sflag:s10] =	ssyncadd.s32 $0xFFFFEC00  }
0x82: {  	[spmem:s6] =	stream.linear.scatter [tilespmem:s11], [sflag:$0x2], $0x1400, $0x38;
	[tilespmem:$0x1F480] =	vst v63  }
0x83: {  	_ =	swait.ge [sflag:s10], $0x1400  }
0x84: {  	[sflag:s10] =	ssyncset.done $0x0  }
0x85: {  	[sflag:s10] =	ssyncadd.s32 $0xFFFFEC00  }
0x86: {  	[spmem:s7] =	stream.linear.scatter [tilespmem:s11], [sflag:$0x2], $0x1400, $0x38;
	[tilespmem:$0x1F480] =	vst v63  }
0x87: {  	_ =	swait.ge [sflag:s10], $0x1400  }
0x88: {  	[sflag:s10] =	ssyncset.done $0x0  }
0x89: {  	s16 =	simm.s32 @!p0 $0xA800;
	[sflag:s10] =	ssyncadd.s32 $0xFFFFEC00  }
0x8a: {  	[spmem:s8] =	stream.linear.scatter @!p0 [tilespmem:s16], [sflag:$0x2], $0x1400, $0x38;
	[tilespmem:$0x1F480] =	vst v63  }
0x8b: {  	s16 =	simm.s32 @!p0 $0x2  }
0x8c: {  	_ =	swait.ge @!p0 [sflag:s16], $0x1400  }
0x8d: {  	[sflag:s16] =	ssyncset.done @!p0 $0x0  }
0x8e: {  	[sflag:s16] =	ssyncadd.s32 @!p0 $0xFFFFEC00  }
0x8f: {  	s21 =	simm.s32 $0x0;
	[bflag:$0x0] =	sbarrier.arrive $0xFFFF  }
0x90: {  	[tilespmem:s13], [sflag:$0x1] =	stream.indirect.gather [hbm4b:s18+s12], $0x80, s21, s12, $0xb8;
	[tilespmem:$0x1F480] =	vst v63  }
0x91: {  	_ =	swait.ge [sflag:s14], $0x2800  }
0x92: {  	[sflag:s14] =	ssyncset.done $0x0  }
0x93: {  	s22 =	simm.s32 $0x4000;
	[sflag:s14] =	ssyncadd.s32 $0xFFFFD800  }
0x94: {  	[spmem:s20] =	stream.indirect.scatter.add.f32 [tilespmem:s13], [sflag:$0x2], $0x80, s22, s12, $0xb8;
	[tilespmem:$0x1F480] =	vst v63  }
0x95: {  	_ =	swait.ge [sflag:s10], $0x2800  }
0x96: {  	s17 =	simm.s32 $0x400;
	s16 =	simm.s32 $0x200;
	[sflag:s10] =	ssyncset.done $0x0  }
.LBB2_2:
0x97: {  	s21 =	sshra.s32 s16, $0x2  }
0x98: {  	[sflag:s10] =	ssyncadd.s32 $0xFFFFD800;
	s16 =	smov.u32 s17;
	s22 =	sadd.s32 $0x200, s17  }
0x99: {  	[tilespmem:s13], [sflag:$0x1] =	stream.indirect.gather [hbm4b:s18+s12], $0x80, s21, s12, $0xb8;
	[tilespmem:$0x1F480] =	vst v63  }
0x9a: {  	p1 =	sne.s32 s17, $0xF800;
	_ =	swait.ge [sflag:s14], $0x2800  }
.Ltmp0:
0x9b: {  	[sflag:s14] =	ssyncset.done $0x0;
	(pc) =	sbr.rel @p1 .LBB2_2-.Ltmp0, $4  }
0x9c: {  	s17 =	sadd.s32 $0x4000, s21;
	[sflag:s14] =	ssyncadd.s32 $0xFFFFD800  }
0x9d: {  	[spmem:s20] =	stream.indirect.scatter.add.f32 [tilespmem:s13], [sflag:$0x2], $0x80, s17, s12, $0xb8;
	[tilespmem:$0x1F480] =	vst v63  }
0x9e: {  	_ =	swait.ge [sflag:s10], $0x2800  }
0x9f: {  	s17 =	smov.u32 s22;
	[sflag:s10] =	ssyncset.done $0x0  }
0xa0: {  	s16 =	sshra.s32 s16, $0x2;
	[sflag:s10] =	ssyncadd.s32 $0xFFFFD800  }
0xa1: {  	[tilespmem:s13], [sflag:$0x1] =	stream.indirect.gather [hbm4b:s18+s12], $0x80, s16, s12, $0xb8;
	[tilespmem:$0x1F480] =	vst v63  }
0xa2: {  	_ =	swait.ge [sflag:s14], $0x2800  }
0xa3: {  	[sflag:s14] =	ssyncset.done $0x0  }
0xa4: {  	s16 =	sadd.s32 $0x4000, s16;
	[sflag:s14] =	ssyncadd.s32 $0xFFFFD800  }
0xa5: {  	[spmem:s20] =	stream.indirect.scatter.add.f32 [tilespmem:s13], [sflag:$0x2], $0x80, s16, s12, $0xb8;
	[tilespmem:$0x1F480] =	vst v63  }
0xa6: {  	_ =	swait.ge [sflag:s10], $0x2800  }
0xa7: {  	[sflag:s10] =	ssyncset.done $0x0  }
0xa8: {  	[sflag:s10] =	ssyncadd.s32 $0xFFFFD800  }
0xa9: {  	[bflag:$0x0] =	sbarrier.arrive $0xFFFF  }
0xaa: {  	[tilespmem:s11], [sflag:$0x2] =	stream.linear.gather [spmem:s24], $0x1400, $0x38;
	[tilespmem:$0x1F480] =	vst v63  }
0xab: {  	_ =	swait.ge [sflag:s10], $0x1400  }
0xac: {  	[sflag:s10] =	ssyncset.done $0x0  }
0xad: {  	s17 =	rddreg [dreg:$0x4];
	[sflag:s10] =	ssyncadd.s32 $0xFFFFEC00  }
0xae: {  	[hbm4b:s17+s1] =	stream.linear.scatter [tilespmem:s11], [sflag:$0x2], $0x1400, $0x38;
	[tilespmem:$0x1F480] =	vst v63  }
0xaf: {  	_ =	swait.ge [sflag:s10], $0x1400  }
0xb0: {  	[sflag:s10] =	ssyncset.done $0x0  }
0xb1: {  	[sflag:s10] =	ssyncadd.s32 $0xFFFFEC00  }
0xb2: {  	[tilespmem:s11], [sflag:$0x2] =	stream.linear.gather [spmem:s25], $0x1400, $0x38;
	[tilespmem:$0x1F480] =	vst v63  }
0xb3: {  	_ =	swait.ge [sflag:s10], $0x1400  }
0xb4: {  	[sflag:s10] =	ssyncset.done $0x0  }
0xb5: {  	s21 =	rddreg [dreg:$0x5];
	[sflag:s10] =	ssyncadd.s32 $0xFFFFEC00  }
0xb6: {  	[hbm4b:s21+s1] =	stream.linear.scatter [tilespmem:s11], [sflag:$0x2], $0x1400, $0x38;
	[tilespmem:$0x1F480] =	vst v63  }
0xb7: {  	_ =	swait.ge [sflag:s10], $0x1400  }
0xb8: {  	[sflag:s10] =	ssyncset.done $0x0  }
0xb9: {  	[sflag:s10] =	ssyncadd.s32 $0xFFFFEC00  }
0xba: {  	[tilespmem:s11], [sflag:$0x2] =	stream.linear.gather [spmem:s26], $0x1400, $0x38;
	[tilespmem:$0x1F480] =	vst v63  }
0xbb: {  	_ =	swait.ge [sflag:s10], $0x1400  }
0xbc: {  	[sflag:s10] =	ssyncset.done $0x0  }
0xbd: {  	s22 =	rddreg [dreg:$0x6];
	[sflag:s10] =	ssyncadd.s32 $0xFFFFEC00  }
0xbe: {  	[hbm4b:s22+s1] =	stream.linear.scatter [tilespmem:s11], [sflag:$0x2], $0x1400, $0x38;
	[tilespmem:$0x1F480] =	vst v63  }
0xbf: {  	_ =	swait.ge [sflag:s10], $0x1400  }
0xc0: {  	[sflag:s10] =	ssyncset.done $0x0  }
0xc1: {  	[sflag:s10] =	ssyncadd.s32 $0xFFFFEC00  }
0xc2: {  	[tilespmem:s11], [sflag:$0x2] =	stream.linear.gather [spmem:s28], $0x1400, $0x38;
	[tilespmem:$0x1F480] =	vst v63  }
0xc3: {  	_ =	swait.ge [sflag:s10], $0x1400  }
0xc4: {  	[sflag:s10] =	ssyncset.done $0x0  }
0xc5: {  	s17 =	rddreg [dreg:$0x7];
	[sflag:s10] =	ssyncadd.s32 $0xFFFFEC00  }
0xc6: {  	[hbm4b:s17+s1] =	stream.linear.scatter [tilespmem:s11], [sflag:$0x2], $0x1400, $0x38;
	[tilespmem:$0x1F480] =	vst v63  }
0xc7: {  	_ =	swait.ge [sflag:s10], $0x1400  }
0xc8: {  	[sflag:s10] =	ssyncset.done $0x0  }
0xc9: {  	[sflag:s10] =	ssyncadd.s32 $0xFFFFEC00  }
0xca: {  	[tilespmem:s11], [sflag:$0x2] =	stream.linear.gather [spmem:s29], $0x1400, $0x38;
	[tilespmem:$0x1F480] =	vst v63  }
0xcb: {  	_ =	swait.ge [sflag:s10], $0x1400  }
0xcc: {  	[sflag:s10] =	ssyncset.done $0x0  }
0xcd: {  	s21 =	rddreg [dreg:$0x8];
	[sflag:s10] =	ssyncadd.s32 $0xFFFFEC00  }
0xce: {  	[hbm4b:s21+s1] =	stream.linear.scatter [tilespmem:s11], [sflag:$0x2], $0x1400, $0x38;
	[tilespmem:$0x1F480] =	vst v63  }
0xcf: {  	_ =	swait.ge [sflag:s10], $0x1400  }
0xd0: {  	[sflag:s10] =	ssyncset.done $0x0  }
0xd1: {  	[sflag:s10] =	ssyncadd.s32 $0xFFFFEC00  }
0xd2: {  	[tilespmem:s11], [sflag:$0x2] =	stream.linear.gather [spmem:s30], $0x1400, $0x38;
	[tilespmem:$0x1F480] =	vst v63  }
0xd3: {  	_ =	swait.ge [sflag:s10], $0x1400  }
0xd4: {  	[sflag:s10] =	ssyncset.done $0x0  }
0xd5: {  	s22 =	rddreg [dreg:$0x9];
	[sflag:s10] =	ssyncadd.s32 $0xFFFFEC00  }
0xd6: {  	[hbm4b:s22+s1] =	stream.linear.scatter [tilespmem:s11], [sflag:$0x2], $0x1400, $0x38;
	[tilespmem:$0x1F480] =	vst v63  }
0xd7: {  	_ =	swait.ge [sflag:s10], $0x1400  }
0xd8: {  	[sflag:s10] =	ssyncset.done $0x0  }
0xd9: {  	[sflag:s10] =	ssyncadd.s32 $0xFFFFEC00  }
0xda: {  	[tilespmem:s11], [sflag:$0x2] =	stream.linear.gather [spmem:s31], $0x1400, $0x38;
	[tilespmem:$0x1F480] =	vst v63  }
0xdb: {  	_ =	swait.ge [sflag:s10], $0x1400  }
0xdc: {  	[sflag:s10] =	ssyncset.done $0x0  }
0xdd: {  	s17 =	rddreg [dreg:$0xa];
	[sflag:s10] =	ssyncadd.s32 $0xFFFFEC00  }
0xde: {  	[hbm4b:s17+s1] =	stream.linear.scatter [tilespmem:s11], [sflag:$0x2], $0x1400, $0x38;
	[tilespmem:$0x1F480] =	vst v63  }
0xdf: {  	_ =	swait.ge [sflag:s10], $0x1400  }
0xe0: {  	[sflag:s10] =	ssyncset.done $0x0  }
0xe1: {  	[sflag:s10] =	ssyncadd.s32 $0xFFFFEC00  }
0xe2: {  	[tilespmem:s11], [sflag:$0x2] =	stream.linear.gather [spmem:s19], $0x1400, $0x38;
	[tilespmem:$0x1F480] =	vst v63  }
0xe3: {  	_ =	swait.ge [sflag:s10], $0x1400  }
0xe4: {  	[sflag:s10] =	ssyncset.done $0x0  }
0xe5: {  	s21 =	rddreg [dreg:$0xb];
	[sflag:s10] =	ssyncadd.s32 $0xFFFFEC00  }
0xe6: {  	[hbm4b:s21+s1] =	stream.linear.scatter [tilespmem:s11], [sflag:$0x2], $0x1400, $0x38;
	[tilespmem:$0x1F480] =	vst v63  }
0xe7: {  	_ =	swait.ge [sflag:s10], $0x1400  }
0xe8: {  	[sflag:s10] =	ssyncset.done $0x0  }
0xe9: {  	[sflag:s10] =	ssyncadd.s32 $0xFFFFEC00  }
0xea: {  	[tilespmem:s11], [sflag:$0x2] =	stream.linear.gather [spmem:s0], $0x1400, $0x38;
	[tilespmem:$0x1F480] =	vst v63  }
0xeb: {  	_ =	swait.ge [sflag:s10], $0x1400  }
0xec: {  	[sflag:s10] =	ssyncset.done $0x0  }
0xed: {  	s22 =	rddreg [dreg:$0xc];
	[sflag:s10] =	ssyncadd.s32 $0xFFFFEC00  }
0xee: {  	[hbm4b:s22+s1] =	stream.linear.scatter [tilespmem:s11], [sflag:$0x2], $0x1400, $0x38;
	[tilespmem:$0x1F480] =	vst v63  }
0xef: {  	_ =	swait.ge [sflag:s10], $0x1400  }
0xf0: {  	[sflag:s10] =	ssyncset.done $0x0  }
0xf1: {  	[sflag:s10] =	ssyncadd.s32 $0xFFFFEC00  }
0xf2: {  	[tilespmem:s11], [sflag:$0x2] =	stream.linear.gather [spmem:s2], $0x1400, $0x38;
	[tilespmem:$0x1F480] =	vst v63  }
0xf3: {  	_ =	swait.ge [sflag:s10], $0x1400  }
0xf4: {  	[sflag:s10] =	ssyncset.done $0x0  }
0xf5: {  	s17 =	rddreg [dreg:$0xd];
	[sflag:s10] =	ssyncadd.s32 $0xFFFFEC00  }
0xf6: {  	[hbm4b:s17+s1] =	stream.linear.scatter [tilespmem:s11], [sflag:$0x2], $0x1400, $0x38;
	[tilespmem:$0x1F480] =	vst v63  }
0xf7: {  	_ =	swait.ge [sflag:s10], $0x1400  }
0xf8: {  	[sflag:s10] =	ssyncset.done $0x0  }
0xf9: {  	[sflag:s10] =	ssyncadd.s32 $0xFFFFEC00  }
0xfa: {  	[tilespmem:s11], [sflag:$0x2] =	stream.linear.gather [spmem:s3], $0x1400, $0x38;
	[tilespmem:$0x1F480] =	vst v63  }
0xfb: {  	_ =	swait.ge [sflag:s10], $0x1400  }
0xfc: {  	[sflag:s10] =	ssyncset.done $0x0  }
0xfd: {  	s21 =	rddreg [dreg:$0xe];
	[sflag:s10] =	ssyncadd.s32 $0xFFFFEC00  }
0xfe: {  	[hbm4b:s21+s1] =	stream.linear.scatter [tilespmem:s11], [sflag:$0x2], $0x1400, $0x38;
	[tilespmem:$0x1F480] =	vst v63  }
0xff: {  	_ =	swait.ge [sflag:s10], $0x1400  }
0x100: {  	[sflag:s10] =	ssyncset.done $0x0  }
0x101: {  	[sflag:s10] =	ssyncadd.s32 $0xFFFFEC00  }
0x102: {  	[tilespmem:s11], [sflag:$0x2] =	stream.linear.gather [spmem:s4], $0x1400, $0x38;
	[tilespmem:$0x1F480] =	vst v63  }
0x103: {  	_ =	swait.ge [sflag:s10], $0x1400  }
0x104: {  	[sflag:s10] =	ssyncset.done $0x0  }
0x105: {  	s22 =	rddreg [dreg:$0xf];
	[sflag:s10] =	ssyncadd.s32 $0xFFFFEC00  }
0x106: {  	[hbm4b:s22+s1] =	stream.linear.scatter [tilespmem:s11], [sflag:$0x2], $0x1400, $0x38;
	[tilespmem:$0x1F480] =	vst v63  }
0x107: {  	_ =	swait.ge [sflag:s10], $0x1400  }
0x108: {  	[sflag:s10] =	ssyncset.done $0x0  }
0x109: {  	[sflag:s10] =	ssyncadd.s32 $0xFFFFEC00  }
0x10a: {  	[tilespmem:s11], [sflag:$0x2] =	stream.linear.gather [spmem:s5], $0x1400, $0x38;
	[tilespmem:$0x1F480] =	vst v63  }
0x10b: {  	_ =	swait.ge [sflag:s10], $0x1400  }
0x10c: {  	[sflag:s10] =	ssyncset.done $0x0  }
0x10d: {  	s17 =	rddreg [dreg:$0x10];
	[sflag:s10] =	ssyncadd.s32 $0xFFFFEC00  }
0x10e: {  	[hbm4b:s17+s1] =	stream.linear.scatter [tilespmem:s11], [sflag:$0x2], $0x1400, $0x38;
	[tilespmem:$0x1F480] =	vst v63  }
0x10f: {  	_ =	swait.ge [sflag:s10], $0x1400  }
0x110: {  	[sflag:s10] =	ssyncset.done $0x0  }
0x111: {  	[sflag:s10] =	ssyncadd.s32 $0xFFFFEC00  }
0x112: {  	[tilespmem:s11], [sflag:$0x2] =	stream.linear.gather [spmem:s6], $0x1400, $0x38;
	[tilespmem:$0x1F480] =	vst v63  }
0x113: {  	_ =	swait.ge [sflag:s10], $0x1400  }
0x114: {  	[sflag:s10] =	ssyncset.done $0x0  }
0x115: {  	s21 =	rddreg [dreg:$0x11];
	[sflag:s10] =	ssyncadd.s32 $0xFFFFEC00  }
0x116: {  	[hbm4b:s21+s1] =	stream.linear.scatter [tilespmem:s11], [sflag:$0x2], $0x1400, $0x38;
	[tilespmem:$0x1F480] =	vst v63  }
0x117: {  	_ =	swait.ge [sflag:s10], $0x1400  }
0x118: {  	[sflag:s10] =	ssyncset.done $0x0  }
0x119: {  	[sflag:s10] =	ssyncadd.s32 $0xFFFFEC00  }
0x11a: {  	[tilespmem:s11], [sflag:$0x2] =	stream.linear.gather [spmem:s7], $0x1400, $0x38;
	[tilespmem:$0x1F480] =	vst v63  }
0x11b: {  	_ =	swait.ge [sflag:s10], $0x1400  }
0x11c: {  	[sflag:s10] =	ssyncset.done $0x0  }
0x11d: {  	s22 =	rddreg [dreg:$0x12];
	[sflag:s10] =	ssyncadd.s32 $0xFFFFEC00  }
0x11e: {  	[hbm4b:s22+s1] =	stream.linear.scatter [tilespmem:s11], [sflag:$0x2], $0x1400, $0x38;
	[tilespmem:$0x1F480] =	vst v63  }
0x11f: {  	_ =	swait.ge [sflag:s10], $0x1400  }
0x120: {  	[sflag:s10] =	ssyncset.done $0x0  }
0x121: {  	s16 =	simm.s32 @!p0 $0xA800;
	s17 =	simm.s32 @!p0 $0x2;
	[sflag:s10] =	ssyncadd.s32 $0xFFFFEC00  }
0x122: {  	[tilespmem:s16], [sflag:$0x2] =	stream.linear.gather @!p0 [spmem:s8], $0x1400, $0x38;
	[tilespmem:$0x1F480] =	vst v63  }
0x123: {  	s15 =	sadd.s32 $0x1, s15;
	_ =	swait.ge @!p0 [sflag:s17], $0x1400  }
0x124: {  	p1 =	sne.s32 s15, s9;
	s21 =	simm.s32 @!p0 $0x0;
	[sflag:s17] =	ssyncset.done @!p0 $0x0  }
.Ltmp1:
0x125: {  	s22 =	rddreg [dreg:$0x13];
	[sflag:s17] =	ssyncadd.s32 @!p0 $0xFFFFEC00;
	(pc) =	sbr.rel @p1 .LBB2_1-.Ltmp1, $4  }
0x126: {  	[hbm4b:s22+s21] =	stream.linear.scatter @!p0 [tilespmem:s16], [sflag:$0x2], $0x1400, $0x38;
	[tilespmem:$0x1F480] =	vst v63  }
0x127: {  	_ =	swait.ge @!p0 [sflag:s17], $0x1400  }
0x128: {  	[sflag:s17] =	ssyncset.done @!p0 $0x0  }
0x129: {  	[sflag:s17] =	ssyncadd.s32 @!p0 $0xFFFFEC00  }
0x12a: {  	_ =	sfence.sel $0x180000  }
0x12b: {  	[bflag:$0x0] =	sbarrier.arrive $0xFFFF  }
0x12c: {  	_ =	strace $0x90000047  }
0x12d: {  	s0 =	stileid.u32;
	[bflag:$0x2] =	sbarrier.arrive $0xFFFF  }
0x12e: {  	p0 =	sne.s32 s0, $0x0;
	s0 =	rddreg [dreg:$0x3]  }
0x12f: {  	s0 =	sadd.s32 @!p0 $0x100000, s0  }
0x130: {  	[sflag:s0] =	ssyncadd.tile.s32 @!p0 $0x1;
	_ =	shalt  }
.Lfunc_end2:
_tile_overlayer_lowered:
.L_overlay_start_2:
0x131: {  	(tag) =	ssettag $0x2  }
0x132: {  	s0 =	rddreg [dreg:$0x0];
	s2 =	stileid.u32  }
0x133: {  	s1 =	rddreg [dreg:$0x1];
	p0 =	sne.s32 s2, $0x0  }
0x134: {  	s3 =	rddreg [dreg:$0x2];
	[bflag:$0x3] =	sbarrier.arrive $0xFFFF;
	s2 =	simm.s32 @!p0 $0x1C02  }
0x135: {  	[timem:s3], [sflag:s2] =	dma.local @!p0 [hbm:s0], s1  }
0x136: {  	s0 =	simm.s32 @!p0 $0x2  }
0x137: {  	_ =	swait.ge @!p0 [sflag:s0], s1  }
0x138: {  	s1 =	ssub.s32 @!p0 $0x0, s1;
	[sflag:s0] =	ssyncset.done @!p0 $0x0  }
0x139: {  	[sflag:s0] =	ssyncadd.s32 @!p0 s1  }
0x13a: {  	[bflag:$0x3] =	sbarrier.arrive $0xFFFF  }
0x13b: {  	_ =	shalt  }

</sc_bundles>
